<compile_context>
chip_gen: v7x
topology: tpu7x:2x2x1
jax: 0.10.2.dev20260603
libtpu: 0.0.44.dev20260713+nightly
codegen_flags: <defaults>
</compile_context>

<pallas_src>
import functools

import jax
import jax.numpy as jnp
from jax import lax
from jax.experimental import pallas as pl
from jax.experimental.pallas import tpu as pltpu
from jax.experimental.pallas import tpu_sc as plsc

VOCAB = 32320
DIM = 1024
B = 4
S = 2048

_INFO = plsc.get_sparse_core_info()
_NC, _NS = _INFO.num_cores, _INFO.num_subcores
_NW = _NC * _NS
_N_IDX = B * S
_PER_W = _N_IDX // _NW
_W_PER_ROW = S // _PER_W
_CHUNK = 16
_NCHUNK = _PER_W // _CHUNK
_NBUF = 6


@functools.partial(
    pl.kernel,
    out_type=(
        jax.ShapeDtypeStruct((_N_IDX, DIM), jnp.float32),
        jax.ShapeDtypeStruct((B, S), jnp.float32),
        jax.ShapeDtypeStruct((B, S), jnp.float32),
    ),
    mesh=plsc.VectorSubcoreMesh(core_axis_name="c", subcore_axis_name="s"),
    scratch_types=(
        [pltpu.VMEM((_PER_W,), jnp.int32)]
        + [pltpu.VMEM((_CHUNK, DIM), jnp.float32)] * _NBUF
        + [pltpu.SemaphoreType.DMA] * (2 * _NBUF + 1)
    ),
)
def _gather_rows(idx_hbm, in1_hbm, in2_hbm, table_hbm,
                 out_hbm, o1_hbm, o2_hbm, idx_v, *bufs_and_sems):
    bufs = bufs_and_sems[:_NBUF]
    gsems = bufs_and_sems[_NBUF:2 * _NBUF]
    ssems = bufs_and_sems[2 * _NBUF:3 * _NBUF]
    psem = bufs_and_sems[3 * _NBUF]
    wid = lax.axis_index("s") * _NC + lax.axis_index("c")
    base = wid * _PER_W
    row = wid // _W_PER_ROW
    col = (wid % _W_PER_ROW) * _PER_W

    @pl.when(wid == 0)
    def _():
        pltpu.make_async_copy(in1_hbm, o1_hbm, psem).start()

    @pl.when(wid == 1)
    def _():
        pltpu.make_async_copy(in2_hbm, o2_hbm, psem).start()

    pltpu.sync_copy(idx_hbm.at[row, pl.ds(col, _PER_W)], idx_v)

    def gather(c):
        return pltpu.async_copy(
            table_hbm.at[idx_v.at[pl.ds(c * _CHUNK, _CHUNK)]],
            bufs[c % _NBUF], gsems[c % _NBUF])

    def store(c):
        return pltpu.async_copy(
            bufs[c % _NBUF], out_hbm.at[pl.ds(base + c * _CHUNK, _CHUNK)],
            ssems[c % _NBUF])

    gathers = [None] * _NBUF
    stores = [None] * _NBUF
    for i in range(_NBUF - 1):
        gathers[i] = gather(i)
    for c in range(_NCHUNK):
        b = c % _NBUF
        nc = c + _NBUF - 1
        if nc < _NCHUNK:
            if c >= 1:
                stores[nc % _NBUF].wait()
            gathers[nc % _NBUF] = gather(nc)
        gathers[b].wait()
        stores[b] = store(c)
    for c in range(_NCHUNK - _NBUF, _NCHUNK):
        stores[c % _NBUF].wait()

    @pl.when(wid == 0)
    def _():
        pltpu.make_async_copy(in1_hbm, o1_hbm, psem).wait()

    @pl.when(wid == 1)
    def _():
        pltpu.make_async_copy(in2_hbm, o2_hbm, psem).wait()


def kernel(input0, input1, input2, W):
    idx = input0.astype(jnp.int32)
    rows, o1, o2 = _gather_rows(idx, input1, input2, W)
    return (o1, o2, rows.reshape(B, S, DIM))

# --- scband reference (transcript-rebuilt; emitter-appended) ---
"""Pipeline reference for scband-stage0-29343216566633 (READ-ONLY COPY).

The authoritative reference and input builder live on the scoring server;
editing this copy changes nothing except your own understanding.
"""

import jax, jax.numpy as jnp
import numpy as np

VOCAB = 32320
DIM = 1024
B = 4
S = 2048


def setup_inputs(seed: int = 0) -> dict:
    key = jax.random.key(seed)
    k0, k1, k2, k3 = jax.random.split(key, 4)
    # token indices into the embedding table (padding_idx = 0 allowed)
    input0 = jax.random.randint(k0, (B, S), 0, VOCAB)
    input1 = jax.random.normal(k1, (B, S), dtype=jnp.float32)
    input2 = jax.random.normal(k2, (B, S), dtype=jnp.float32)
    # learned embedding table; torch zero-initializes the padding_idx row
    W = jax.random.normal(k3, (VOCAB, DIM), dtype=jnp.float32)
    W = W.at[0].set(0.0)
    return {"input0": input0, "input1": input1, "input2": input2, "W": W}


def reference(input0, input1, input2, W):
    # out0/out1/out2 = clones (identity in functional jax)
    out1 = input1
    out2 = input2
    # nn.Embedding forward == row gather from the table
    out6 = jnp.take(W, input0, axis=0)
    return (out1, out2, out6)

if __name__ == "__main__":
    import jax
    _d = setup_inputs()
    print(jax.jit(kernel)(*tuple(_d.values())))

</pallas_src>

<mosaic_0001>
#map = affine_map<(d0, d1) -> (0, 0)>
module attributes {stable_mosaic.version = 14 : i64} {
  func.func @_gather_rows(%arg0: i32, %arg1: i32, %arg2: memref<4x2048xi32, #tpu.memory_space<hbm>>, %arg3: memref<4x2048xf32, #tpu.memory_space<hbm>>, %arg4: memref<4x2048xf32, #tpu.memory_space<hbm>>, %arg5: memref<32320x1024xf32, #tpu.memory_space<hbm>>, %arg6: memref<8192x1024xf32, #tpu.memory_space<hbm>>, %arg7: memref<4x2048xf32, #tpu.memory_space<hbm>>, %arg8: memref<4x2048xf32, #tpu.memory_space<hbm>>, %arg9: memref<256xi32, #tpu.memory_space<vmem>>, %arg10: memref<16x1024xf32, #tpu.memory_space<vmem>>, %arg11: memref<16x1024xf32, #tpu.memory_space<vmem>>, %arg12: memref<16x1024xf32, #tpu.memory_space<vmem>>, %arg13: memref<16x1024xf32, #tpu.memory_space<vmem>>, %arg14: memref<16x1024xf32, #tpu.memory_space<vmem>>, %arg15: memref<16x1024xf32, #tpu.memory_space<vmem>>, %arg16: memref<!tpu.dma_semaphore, #tpu.memory_space<semaphore_mem>>, %arg17: memref<!tpu.dma_semaphore, #tpu.memory_space<semaphore_mem>>, %arg18: memref<!tpu.dma_semaphore, #tpu.memory_space<semaphore_mem>>, %arg19: memref<!tpu.dma_semaphore, #tpu.memory_space<semaphore_mem>>, %arg20: memref<!tpu.dma_semaphore, #tpu.memory_space<semaphore_mem>>, %arg21: memref<!tpu.dma_semaphore, #tpu.memory_space<semaphore_mem>>, %arg22: memref<!tpu.dma_semaphore, #tpu.memory_space<semaphore_mem>>, %arg23: memref<!tpu.dma_semaphore, #tpu.memory_space<semaphore_mem>>, %arg24: memref<!tpu.dma_semaphore, #tpu.memory_space<semaphore_mem>>, %arg25: memref<!tpu.dma_semaphore, #tpu.memory_space<semaphore_mem>>, %arg26: memref<!tpu.dma_semaphore, #tpu.memory_space<semaphore_mem>>, %arg27: memref<!tpu.dma_semaphore, #tpu.memory_space<semaphore_mem>>, %arg28: memref<!tpu.dma_semaphore, #tpu.memory_space<semaphore_mem>>) attributes {dimension_semantics = [#tpu.dimension_semantics<core_parallel>, #tpu.dimension_semantics<subcore_parallel>], iteration_bounds = array<i64: 2, 16>, scalar_prefetch = 0 : i64, scratch_operands = 20 : i64, tpu.core_type = #tpu.core_type<sc_vector_subcore>, window_params = [{transform_indices = #map}, {transform_indices = #map}, {transform_indices = #map}, {transform_indices = #map}, {transform_indices = #map}, {transform_indices = #map}, {transform_indices = #map}]} {
    %mul3A = arith.constant 2 : i32
    %mul3A_0 = arith.muli %arg1, %mul3A : i32
    %add3A = arith.addi %mul3A_0, %arg0 : i32
    %mul3A_1 = arith.constant 256 : i32
    %mul3A_2 = arith.muli %add3A, %mul3A_1 : i32
    %jit3A = arith.constant 8 : i32
    %div3A = arith.divsi %add3A, %jit3A : i32
    %sign3A = arith.constant 0 : i32
    %sign3A_3 = arith.cmpi sgt, %add3A, %sign3A : i32
    %sign3A_4 = arith.extui %sign3A_3 : i1 to i32
    %sign3A_5 = arith.constant 0 : i32
    %sign3A_6 = arith.cmpi slt, %add3A, %sign3A_5 : i32
    %sign3A_7 = arith.extui %sign3A_6 : i1 to i32
    %sign3A_8 = arith.subi %sign3A_4, %sign3A_7 : i32
    %sign3A_9 = arith.constant 0 : i32
    %sign3A_10 = arith.cmpi sgt, %jit3A, %sign3A_9 : i32
    %sign3A_11 = arith.extui %sign3A_10 : i1 to i32
    %sign3A_12 = arith.constant 0 : i32
    %sign3A_13 = arith.cmpi slt, %jit3A, %sign3A_12 : i32
    %sign3A_14 = arith.extui %sign3A_13 : i1 to i32
    %sign3A_15 = arith.subi %sign3A_11, %sign3A_14 : i32
    %ne3A = arith.cmpi ne, %sign3A_8, %sign3A_15 : i32
    %rem3A = arith.remsi %add3A, %jit3A : i32
    %ne3A_16 = arith.constant 0 : i32
    %ne3A_17 = arith.cmpi ne, %rem3A, %ne3A_16 : i32
    %and3A = arith.andi %ne3A, %ne3A_17 : i1
    %sub3A = arith.constant 1 : i32
    %sub3A_18 = arith.subi %div3A, %sub3A : i32
    %select_n3A = arith.select %and3A, %sub3A_18, %div3A : i32
    %jit3A_19 = arith.constant 8 : i32
    %eq3A = arith.constant 0 : i32
    %eq3A_20 = arith.cmpi eq, %jit3A_19, %eq3A : i32
    %jit3A_21 = arith.constant 1 : i32
    %select_n3A_22 = arith.select %eq3A_20, %jit3A_21, %jit3A_19 : i32
    %rem3A_23 = arith.remsi %add3A, %select_n3A_22 : i32
    %ne3A_24 = arith.constant 0 : i32
    %ne3A_25 = arith.cmpi ne, %rem3A_23, %ne3A_24 : i32
    %lt3A = arith.constant 0 : i32
    %lt3A_26 = arith.cmpi slt, %rem3A_23, %lt3A : i32
    %lt3A_27 = arith.constant 0 : i32
    %lt3A_28 = arith.cmpi slt, %select_n3A_22, %lt3A_27 : i32
    %ne3A_29 = arith.xori %lt3A_26, %lt3A_28 : i1
    %and3A_30 = arith.andi %ne3A_29, %ne3A_25 : i1
    %add3A_31 = arith.addi %rem3A_23, %select_n3A_22 : i32
    %select_n3A_32 = arith.select %and3A_30, %add3A_31, %rem3A_23 : i32
    %mul3A_33 = arith.constant 256 : i32
    %mul3A_34 = arith.muli %select_n3A_32, %mul3A_33 : i32
    %eq3A_35 = arith.constant 0 : i32
    %eq3A_36 = arith.cmpi eq, %add3A, %eq3A_35 : i32
    %convert_element_type3A = arith.extui %eq3A_36 : i1 to i32
    %cond3A = arith.constant 0 : i32
    %cond3A_37 = arith.cmpi ne, %convert_element_type3A, %cond3A : i32
    scf.if %cond3A_37 {
      tpu.enqueue_dma source(%arg3 : memref<4x2048xf32, #tpu.memory_space<hbm>>) target(%arg7 : memref<4x2048xf32, #tpu.memory_space<hbm>>) target_semaphore(%arg28 : memref<!tpu.dma_semaphore, #tpu.memory_space<semaphore_mem>>)
    } else {
    }
    %eq3A_38 = arith.constant 1 : i32
    %eq3A_39 = arith.cmpi eq, %add3A, %eq3A_38 : i32
    %convert_element_type3A_40 = arith.extui %eq3A_39 : i1 to i32
    %cond3A_41 = arith.constant 0 : i32
    %cond3A_42 = arith.cmpi ne, %convert_element_type3A_40, %cond3A_41 : i32
    scf.if %cond3A_42 {
      tpu.enqueue_dma source(%arg4 : memref<4x2048xf32, #tpu.memory_space<hbm>>) target(%arg8 : memref<4x2048xf32, #tpu.memory_space<hbm>>) target_semaphore(%arg28 : memref<!tpu.dma_semaphore, #tpu.memory_space<semaphore_mem>>)
    } else {
    }
    "tpu.region"() ({
      %run_scoped3A = tpu.sem_alloc : memref<!tpu.dma_semaphore, #tpu.memory_space<semaphore_mem>>
      %dma_start3A_371 = tpu.memref_slice %arg2[%select_n3A, %mul3A_34] : memref<4x2048xi32, #tpu.memory_space<hbm>> -> memref<1x256xi32, #tpu.memory_space<hbm>>
      %dma_start3A_372 = tpu.memref_squeeze %dma_start3A_371 : memref<1x256xi32, #tpu.memory_space<hbm>> -> memref<256xi32, #tpu.memory_space<hbm>>
      %dma_start3A_373 = tpu.memref_slice %arg2[%select_n3A, %mul3A_34] : memref<4x2048xi32, #tpu.memory_space<hbm>> -> memref<1x256xi32, #tpu.memory_space<hbm>>
      %dma_start3A_374 = tpu.memref_squeeze %dma_start3A_373 : memref<1x256xi32, #tpu.memory_space<hbm>> -> memref<256xi32, #tpu.memory_space<hbm>>
      tpu.enqueue_dma source(%dma_start3A_374 : memref<256xi32, #tpu.memory_space<hbm>>) target(%arg9 : memref<256xi32, #tpu.memory_space<vmem>>) target_semaphore(%run_scoped3A : memref<!tpu.dma_semaphore, #tpu.memory_space<semaphore_mem>>)
      %dma_wait3A_375 = tpu.memref_slice %arg2[%select_n3A, %mul3A_34] : memref<4x2048xi32, #tpu.memory_space<hbm>> -> memref<1x256xi32, #tpu.memory_space<hbm>>
      %dma_wait3A_376 = tpu.memref_squeeze %dma_wait3A_375 : memref<1x256xi32, #tpu.memory_space<hbm>> -> memref<256xi32, #tpu.memory_space<hbm>>
      %dma_wait3A_377 = tpu.memref_slice %arg2[%select_n3A, %mul3A_34] : memref<4x2048xi32, #tpu.memory_space<hbm>> -> memref<1x256xi32, #tpu.memory_space<hbm>>
      %dma_wait3A_378 = tpu.memref_squeeze %dma_wait3A_377 : memref<1x256xi32, #tpu.memory_space<hbm>> -> memref<256xi32, #tpu.memory_space<hbm>>
      tpu.wait_dma2 semaphore(%run_scoped3A : memref<!tpu.dma_semaphore, #tpu.memory_space<semaphore_mem>>) src(%dma_wait3A_378 : memref<256xi32, #tpu.memory_space<hbm>>) dst(%arg9 : memref<256xi32, #tpu.memory_space<vmem>>)
      tpu.yield
    }) : () -> ()
    %dma_start3A = arith.constant 0 : i32
    %dma_start3A_43 = tpu.memref_slice %arg9[%dma_start3A] : memref<256xi32, #tpu.memory_space<vmem>> -> memref<16xi32, #tpu.memory_space<vmem>>
    %dma_start3A_44 = arith.constant 0 : i32
    %dma_start3A_45 = arith.constant 0 : i32
    %dma_start3A_46 = tpu.memref_slice %arg5[%dma_start3A_44, %dma_start3A_45] : memref<32320x1024xf32, #tpu.memory_space<hbm>> -> memref<32320x1024xf32, #tpu.memory_space<hbm>>
    tpu.enqueue_indirect_dma source(%dma_start3A_46 : memref<32320x1024xf32, #tpu.memory_space<hbm>>) target(%arg10 : memref<16x1024xf32, #tpu.memory_space<vmem>>) offsets(%dma_start3A_43 : memref<16xi32, #tpu.memory_space<vmem>>) semaphore(%arg16 : memref<!tpu.dma_semaphore, #tpu.memory_space<semaphore_mem>>)
    %dma_start3A_47 = arith.constant 16 : i32
    %dma_start3A_48 = tpu.memref_slice %arg9[%dma_start3A_47] : memref<256xi32, #tpu.memory_space<vmem>> -> memref<16xi32, #tpu.memory_space<vmem>>
    %dma_start3A_49 = arith.constant 0 : i32
    %dma_start3A_50 = arith.constant 0 : i32
    %dma_start3A_51 = tpu.memref_slice %arg5[%dma_start3A_49, %dma_start3A_50] : memref<32320x1024xf32, #tpu.memory_space<hbm>> -> memref<32320x1024xf32, #tpu.memory_space<hbm>>
    tpu.enqueue_indirect_dma source(%dma_start3A_51 : memref<32320x1024xf32, #tpu.memory_space<hbm>>) target(%arg11 : memref<16x1024xf32, #tpu.memory_space<vmem>>) offsets(%dma_start3A_48 : memref<16xi32, #tpu.memory_space<vmem>>) semaphore(%arg17 : memref<!tpu.dma_semaphore, #tpu.memory_space<semaphore_mem>>)
    %dma_start3A_52 = arith.constant 32 : i32
    %dma_start3A_53 = tpu.memref_slice %arg9[%dma_start3A_52] : memref<256xi32, #tpu.memory_space<vmem>> -> memref<16xi32, #tpu.memory_space<vmem>>
    %dma_start3A_54 = arith.constant 0 : i32
    %dma_start3A_55 = arith.constant 0 : i32
    %dma_start3A_56 = tpu.memref_slice %arg5[%dma_start3A_54, %dma_start3A_55] : memref<32320x1024xf32, #tpu.memory_space<hbm>> -> memref<32320x1024xf32, #tpu.memory_space<hbm>>
    tpu.enqueue_indirect_dma source(%dma_start3A_56 : memref<32320x1024xf32, #tpu.memory_space<hbm>>) target(%arg12 : memref<16x1024xf32, #tpu.memory_space<vmem>>) offsets(%dma_start3A_53 : memref<16xi32, #tpu.memory_space<vmem>>) semaphore(%arg18 : memref<!tpu.dma_semaphore, #tpu.memory_space<semaphore_mem>>)
    %dma_start3A_57 = arith.constant 48 : i32
    %dma_start3A_58 = tpu.memref_slice %arg9[%dma_start3A_57] : memref<256xi32, #tpu.memory_space<vmem>> -> memref<16xi32, #tpu.memory_space<vmem>>
    %dma_start3A_59 = arith.constant 0 : i32
    %dma_start3A_60 = arith.constant 0 : i32
    %dma_start3A_61 = tpu.memref_slice %arg5[%dma_start3A_59, %dma_start3A_60] : memref<32320x1024xf32, #tpu.memory_space<hbm>> -> memref<32320x1024xf32, #tpu.memory_space<hbm>>
    tpu.enqueue_indirect_dma source(%dma_start3A_61 : memref<32320x1024xf32, #tpu.memory_space<hbm>>) target(%arg13 : memref<16x1024xf32, #tpu.memory_space<vmem>>) offsets(%dma_start3A_58 : memref<16xi32, #tpu.memory_space<vmem>>) semaphore(%arg19 : memref<!tpu.dma_semaphore, #tpu.memory_space<semaphore_mem>>)
    %dma_start3A_62 = arith.constant 64 : i32
    %dma_start3A_63 = tpu.memref_slice %arg9[%dma_start3A_62] : memref<256xi32, #tpu.memory_space<vmem>> -> memref<16xi32, #tpu.memory_space<vmem>>
    %dma_start3A_64 = arith.constant 0 : i32
    %dma_start3A_65 = arith.constant 0 : i32
    %dma_start3A_66 = tpu.memref_slice %arg5[%dma_start3A_64, %dma_start3A_65] : memref<32320x1024xf32, #tpu.memory_space<hbm>> -> memref<32320x1024xf32, #tpu.memory_space<hbm>>
    tpu.enqueue_indirect_dma source(%dma_start3A_66 : memref<32320x1024xf32, #tpu.memory_space<hbm>>) target(%arg14 : memref<16x1024xf32, #tpu.memory_space<vmem>>) offsets(%dma_start3A_63 : memref<16xi32, #tpu.memory_space<vmem>>) semaphore(%arg20 : memref<!tpu.dma_semaphore, #tpu.memory_space<semaphore_mem>>)
    %dma_start3A_67 = arith.constant 80 : i32
    %dma_start3A_68 = tpu.memref_slice %arg9[%dma_start3A_67] : memref<256xi32, #tpu.memory_space<vmem>> -> memref<16xi32, #tpu.memory_space<vmem>>
    %dma_start3A_69 = arith.constant 0 : i32
    %dma_start3A_70 = arith.constant 0 : i32
    %dma_start3A_71 = tpu.memref_slice %arg5[%dma_start3A_69, %dma_start3A_70] : memref<32320x1024xf32, #tpu.memory_space<hbm>> -> memref<32320x1024xf32, #tpu.memory_space<hbm>>
    tpu.enqueue_indirect_dma source(%dma_start3A_71 : memref<32320x1024xf32, #tpu.memory_space<hbm>>) target(%arg15 : memref<16x1024xf32, #tpu.memory_space<vmem>>) offsets(%dma_start3A_68 : memref<16xi32, #tpu.memory_space<vmem>>) semaphore(%arg21 : memref<!tpu.dma_semaphore, #tpu.memory_space<semaphore_mem>>)
    %dma_wait3A = arith.constant 0 : i32
    %dma_wait3A_72 = tpu.memref_slice %arg9[%dma_wait3A] : memref<256xi32, #tpu.memory_space<vmem>> -> memref<16xi32, #tpu.memory_space<vmem>>
    %dma_wait3A_73 = arith.constant 0 : i32
    %dma_wait3A_74 = arith.constant 0 : i32
    %dma_wait3A_75 = tpu.memref_slice %arg5[%dma_wait3A_73, %dma_wait3A_74] : memref<32320x1024xf32, #tpu.memory_space<hbm>> -> memref<32320x1024xf32, #tpu.memory_space<hbm>>
    tpu.wait_indirect_dma semaphore(%arg16 : memref<!tpu.dma_semaphore, #tpu.memory_space<semaphore_mem>>) src(%dma_wait3A_75 : memref<32320x1024xf32, #tpu.memory_space<hbm>>) dst(%arg10 : memref<16x1024xf32, #tpu.memory_space<vmem>>)
    %add3A_76 = arith.constant 0 : i32
    %add3A_77 = arith.addi %mul3A_2, %add3A_76 : i32
    %dma_start3A_78 = arith.constant 0 : i32
    %dma_start3A_79 = tpu.memref_slice %arg6[%add3A_77, %dma_start3A_78] : memref<8192x1024xf32, #tpu.memory_space<hbm>> -> memref<16x1024xf32, #tpu.memory_space<hbm>>
    %dma_start3A_80 = arith.constant 0 : i32
    %dma_start3A_81 = tpu.memref_slice %arg6[%add3A_77, %dma_start3A_80] : memref<8192x1024xf32, #tpu.memory_space<hbm>> -> memref<16x1024xf32, #tpu.memory_space<hbm>>
    tpu.enqueue_dma source(%arg10 : memref<16x1024xf32, #tpu.memory_space<vmem>>) target(%dma_start3A_81 : memref<16x1024xf32, #tpu.memory_space<hbm>>) target_semaphore(%arg22 : memref<!tpu.dma_semaphore, #tpu.memory_space<semaphore_mem>>)
    %dma_wait3A_82 = arith.constant 0 : i32
    %dma_wait3A_83 = tpu.memref_slice %arg6[%add3A_77, %dma_wait3A_82] : memref<8192x1024xf32, #tpu.memory_space<hbm>> -> memref<16x1024xf32, #tpu.memory_space<hbm>>
    %dma_wait3A_84 = arith.constant 0 : i32
    %dma_wait3A_85 = tpu.memref_slice %arg6[%add3A_77, %dma_wait3A_84] : memref<8192x1024xf32, #tpu.memory_space<hbm>> -> memref<16x1024xf32, #tpu.memory_space<hbm>>
    tpu.wait_dma2 semaphore(%arg22 : memref<!tpu.dma_semaphore, #tpu.memory_space<semaphore_mem>>) src(%arg10 : memref<16x1024xf32, #tpu.memory_space<vmem>>) dst(%dma_wait3A_85 : memref<16x1024xf32, #tpu.memory_space<hbm>>)
    %dma_start3A_86 = arith.constant 96 : i32
    %dma_start3A_87 = tpu.memref_slice %arg9[%dma_start3A_86] : memref<256xi32, #tpu.memory_space<vmem>> -> memref<16xi32, #tpu.memory_space<vmem>>
    %dma_start3A_88 = arith.constant 0 : i32
    %dma_start3A_89 = arith.constant 0 : i32
    %dma_start3A_90 = tpu.memref_slice %arg5[%dma_start3A_88, %dma_start3A_89] : memref<32320x1024xf32, #tpu.memory_space<hbm>> -> memref<32320x1024xf32, #tpu.memory_space<hbm>>
    tpu.enqueue_indirect_dma source(%dma_start3A_90 : memref<32320x1024xf32, #tpu.memory_space<hbm>>) target(%arg10 : memref<16x1024xf32, #tpu.memory_space<vmem>>) offsets(%dma_start3A_87 : memref<16xi32, #tpu.memory_space<vmem>>) semaphore(%arg16 : memref<!tpu.dma_semaphore, #tpu.memory_space<semaphore_mem>>)
    %dma_wait3A_91 = arith.constant 16 : i32
    %dma_wait3A_92 = tpu.memref_slice %arg9[%dma_wait3A_91] : memref<256xi32, #tpu.memory_space<vmem>> -> memref<16xi32, #tpu.memory_space<vmem>>
    %dma_wait3A_93 = arith.constant 0 : i32
    %dma_wait3A_94 = arith.constant 0 : i32
    %dma_wait3A_95 = tpu.memref_slice %arg5[%dma_wait3A_93, %dma_wait3A_94] : memref<32320x1024xf32, #tpu.memory_space<hbm>> -> memref<32320x1024xf32, #tpu.memory_space<hbm>>
    tpu.wait_indirect_dma semaphore(%arg17 : memref<!tpu.dma_semaphore, #tpu.memory_space<semaphore_mem>>) src(%dma_wait3A_95 : memref<32320x1024xf32, #tpu.memory_space<hbm>>) dst(%arg11 : memref<16x1024xf32, #tpu.memory_space<vmem>>)
    %add3A_96 = arith.constant 16 : i32
    %add3A_97 = arith.addi %mul3A_2, %add3A_96 : i32
    %dma_start3A_98 = arith.constant 0 : i32
    %dma_start3A_99 = tpu.memref_slice %arg6[%add3A_97, %dma_start3A_98] : memref<8192x1024xf32, #tpu.memory_space<hbm>> -> memref<16x1024xf32, #tpu.memory_space<hbm>>
    %dma_start3A_100 = arith.constant 0 : i32
    %dma_start3A_101 = tpu.memref_slice %arg6[%add3A_97, %dma_start3A_100] : memref<8192x1024xf32, #tpu.memory_space<hbm>> -> memref<16x1024xf32, #tpu.memory_space<hbm>>
    tpu.enqueue_dma source(%arg11 : memref<16x1024xf32, #tpu.memory_space<vmem>>) target(%dma_start3A_101 : memref<16x1024xf32, #tpu.memory_space<hbm>>) target_semaphore(%arg23 : memref<!tpu.dma_semaphore, #tpu.memory_space<semaphore_mem>>)
    %dma_wait3A_102 = arith.constant 0 : i32
    %dma_wait3A_103 = tpu.memref_slice %arg6[%add3A_97, %dma_wait3A_102] : memref<8192x1024xf32, #tpu.memory_space<hbm>> -> memref<16x1024xf32, #tpu.memory_space<hbm>>
    %dma_wait3A_104 = arith.constant 0 : i32
    %dma_wait3A_105 = tpu.memref_slice %arg6[%add3A_97, %dma_wait3A_104] : memref<8192x1024xf32, #tpu.memory_space<hbm>> -> memref<16x1024xf32, #tpu.memory_space<hbm>>
    tpu.wait_dma2 semaphore(%arg23 : memref<!tpu.dma_semaphore, #tpu.memory_space<semaphore_mem>>) src(%arg11 : memref<16x1024xf32, #tpu.memory_space<vmem>>) dst(%dma_wait3A_105 : memref<16x1024xf32, #tpu.memory_space<hbm>>)
    %dma_start3A_106 = arith.constant 112 : i32
    %dma_start3A_107 = tpu.memref_slice %arg9[%dma_start3A_106] : memref<256xi32, #tpu.memory_space<vmem>> -> memref<16xi32, #tpu.memory_space<vmem>>
    %dma_start3A_108 = arith.constant 0 : i32
    %dma_start3A_109 = arith.constant 0 : i32
    %dma_start3A_110 = tpu.memref_slice %arg5[%dma_start3A_108, %dma_start3A_109] : memref<32320x1024xf32, #tpu.memory_space<hbm>> -> memref<32320x1024xf32, #tpu.memory_space<hbm>>
    tpu.enqueue_indirect_dma source(%dma_start3A_110 : memref<32320x1024xf32, #tpu.memory_space<hbm>>) target(%arg11 : memref<16x1024xf32, #tpu.memory_space<vmem>>) offsets(%dma_start3A_107 : memref<16xi32, #tpu.memory_space<vmem>>) semaphore(%arg17 : memref<!tpu.dma_semaphore, #tpu.memory_space<semaphore_mem>>)
    %dma_wait3A_111 = arith.constant 32 : i32
    %dma_wait3A_112 = tpu.memref_slice %arg9[%dma_wait3A_111] : memref<256xi32, #tpu.memory_space<vmem>> -> memref<16xi32, #tpu.memory_space<vmem>>
    %dma_wait3A_113 = arith.constant 0 : i32
    %dma_wait3A_114 = arith.constant 0 : i32
    %dma_wait3A_115 = tpu.memref_slice %arg5[%dma_wait3A_113, %dma_wait3A_114] : memref<32320x1024xf32, #tpu.memory_space<hbm>> -> memref<32320x1024xf32, #tpu.memory_space<hbm>>
    tpu.wait_indirect_dma semaphore(%arg18 : memref<!tpu.dma_semaphore, #tpu.memory_space<semaphore_mem>>) src(%dma_wait3A_115 : memref<32320x1024xf32, #tpu.memory_space<hbm>>) dst(%arg12 : memref<16x1024xf32, #tpu.memory_space<vmem>>)
    %add3A_116 = arith.constant 32 : i32
    %add3A_117 = arith.addi %mul3A_2, %add3A_116 : i32
    %dma_start3A_118 = arith.constant 0 : i32
    %dma_start3A_119 = tpu.memref_slice %arg6[%add3A_117, %dma_start3A_118] : memref<8192x1024xf32, #tpu.memory_space<hbm>> -> memref<16x1024xf32, #tpu.memory_space<hbm>>
    %dma_start3A_120 = arith.constant 0 : i32
    %dma_start3A_121 = tpu.memref_slice %arg6[%add3A_117, %dma_start3A_120] : memref<8192x1024xf32, #tpu.memory_space<hbm>> -> memref<16x1024xf32, #tpu.memory_space<hbm>>
    tpu.enqueue_dma source(%arg12 : memref<16x1024xf32, #tpu.memory_space<vmem>>) target(%dma_start3A_121 : memref<16x1024xf32, #tpu.memory_space<hbm>>) target_semaphore(%arg24 : memref<!tpu.dma_semaphore, #tpu.memory_space<semaphore_mem>>)
    %dma_wait3A_122 = arith.constant 0 : i32
    %dma_wait3A_123 = tpu.memref_slice %arg6[%add3A_117, %dma_wait3A_122] : memref<8192x1024xf32, #tpu.memory_space<hbm>> -> memref<16x1024xf32, #tpu.memory_space<hbm>>
    %dma_wait3A_124 = arith.constant 0 : i32
    %dma_wait3A_125 = tpu.memref_slice %arg6[%add3A_117, %dma_wait3A_124] : memref<8192x1024xf32, #tpu.memory_space<hbm>> -> memref<16x1024xf32, #tpu.memory_space<hbm>>
    tpu.wait_dma2 semaphore(%arg24 : memref<!tpu.dma_semaphore, #tpu.memory_space<semaphore_mem>>) src(%arg12 : memref<16x1024xf32, #tpu.memory_space<vmem>>) dst(%dma_wait3A_125 : memref<16x1024xf32, #tpu.memory_space<hbm>>)
    %dma_start3A_126 = arith.constant 128 : i32
    %dma_start3A_127 = tpu.memref_slice %arg9[%dma_start3A_126] : memref<256xi32, #tpu.memory_space<vmem>> -> memref<16xi32, #tpu.memory_space<vmem>>
    %dma_start3A_128 = arith.constant 0 : i32
    %dma_start3A_129 = arith.constant 0 : i32
    %dma_start3A_130 = tpu.memref_slice %arg5[%dma_start3A_128, %dma_start3A_129] : memref<32320x1024xf32, #tpu.memory_space<hbm>> -> memref<32320x1024xf32, #tpu.memory_space<hbm>>
    tpu.enqueue_indirect_dma source(%dma_start3A_130 : memref<32320x1024xf32, #tpu.memory_space<hbm>>) target(%arg12 : memref<16x1024xf32, #tpu.memory_space<vmem>>) offsets(%dma_start3A_127 : memref<16xi32, #tpu.memory_space<vmem>>) semaphore(%arg18 : memref<!tpu.dma_semaphore, #tpu.memory_space<semaphore_mem>>)
    %dma_wait3A_131 = arith.constant 48 : i32
    %dma_wait3A_132 = tpu.memref_slice %arg9[%dma_wait3A_131] : memref<256xi32, #tpu.memory_space<vmem>> -> memref<16xi32, #tpu.memory_space<vmem>>
    %dma_wait3A_133 = arith.constant 0 : i32
    %dma_wait3A_134 = arith.constant 0 : i32
    %dma_wait3A_135 = tpu.memref_slice %arg5[%dma_wait3A_133, %dma_wait3A_134] : memref<32320x1024xf32, #tpu.memory_space<hbm>> -> memref<32320x1024xf32, #tpu.memory_space<hbm>>
    tpu.wait_indirect_dma semaphore(%arg19 : memref<!tpu.dma_semaphore, #tpu.memory_space<semaphore_mem>>) src(%dma_wait3A_135 : memref<32320x1024xf32, #tpu.memory_space<hbm>>) dst(%arg13 : memref<16x1024xf32, #tpu.memory_space<vmem>>)
    %add3A_136 = arith.constant 48 : i32
    %add3A_137 = arith.addi %mul3A_2, %add3A_136 : i32
    %dma_start3A_138 = arith.constant 0 : i32
    %dma_start3A_139 = tpu.memref_slice %arg6[%add3A_137, %dma_start3A_138] : memref<8192x1024xf32, #tpu.memory_space<hbm>> -> memref<16x1024xf32, #tpu.memory_space<hbm>>
    %dma_start3A_140 = arith.constant 0 : i32
    %dma_start3A_141 = tpu.memref_slice %arg6[%add3A_137, %dma_start3A_140] : memref<8192x1024xf32, #tpu.memory_space<hbm>> -> memref<16x1024xf32, #tpu.memory_space<hbm>>
    tpu.enqueue_dma source(%arg13 : memref<16x1024xf32, #tpu.memory_space<vmem>>) target(%dma_start3A_141 : memref<16x1024xf32, #tpu.memory_space<hbm>>) target_semaphore(%arg25 : memref<!tpu.dma_semaphore, #tpu.memory_space<semaphore_mem>>)
    %dma_wait3A_142 = arith.constant 0 : i32
    %dma_wait3A_143 = tpu.memref_slice %arg6[%add3A_137, %dma_wait3A_142] : memref<8192x1024xf32, #tpu.memory_space<hbm>> -> memref<16x1024xf32, #tpu.memory_space<hbm>>
    %dma_wait3A_144 = arith.constant 0 : i32
    %dma_wait3A_145 = tpu.memref_slice %arg6[%add3A_137, %dma_wait3A_144] : memref<8192x1024xf32, #tpu.memory_space<hbm>> -> memref<16x1024xf32, #tpu.memory_space<hbm>>
    tpu.wait_dma2 semaphore(%arg25 : memref<!tpu.dma_semaphore, #tpu.memory_space<semaphore_mem>>) src(%arg13 : memref<16x1024xf32, #tpu.memory_space<vmem>>) dst(%dma_wait3A_145 : memref<16x1024xf32, #tpu.memory_space<hbm>>)
    %dma_start3A_146 = arith.constant 144 : i32
    %dma_start3A_147 = tpu.memref_slice %arg9[%dma_start3A_146] : memref<256xi32, #tpu.memory_space<vmem>> -> memref<16xi32, #tpu.memory_space<vmem>>
    %dma_start3A_148 = arith.constant 0 : i32
    %dma_start3A_149 = arith.constant 0 : i32
    %dma_start3A_150 = tpu.memref_slice %arg5[%dma_start3A_148, %dma_start3A_149] : memref<32320x1024xf32, #tpu.memory_space<hbm>> -> memref<32320x1024xf32, #tpu.memory_space<hbm>>
    tpu.enqueue_indirect_dma source(%dma_start3A_150 : memref<32320x1024xf32, #tpu.memory_space<hbm>>) target(%arg13 : memref<16x1024xf32, #tpu.memory_space<vmem>>) offsets(%dma_start3A_147 : memref<16xi32, #tpu.memory_space<vmem>>) semaphore(%arg19 : memref<!tpu.dma_semaphore, #tpu.memory_space<semaphore_mem>>)
    %dma_wait3A_151 = arith.constant 64 : i32
    %dma_wait3A_152 = tpu.memref_slice %arg9[%dma_wait3A_151] : memref<256xi32, #tpu.memory_space<vmem>> -> memref<16xi32, #tpu.memory_space<vmem>>
    %dma_wait3A_153 = arith.constant 0 : i32
    %dma_wait3A_154 = arith.constant 0 : i32
    %dma_wait3A_155 = tpu.memref_slice %arg5[%dma_wait3A_153, %dma_wait3A_154] : memref<32320x1024xf32, #tpu.memory_space<hbm>> -> memref<32320x1024xf32, #tpu.memory_space<hbm>>
    tpu.wait_indirect_dma semaphore(%arg20 : memref<!tpu.dma_semaphore, #tpu.memory_space<semaphore_mem>>) src(%dma_wait3A_155 : memref<32320x1024xf32, #tpu.memory_space<hbm>>) dst(%arg14 : memref<16x1024xf32, #tpu.memory_space<vmem>>)
    %add3A_156 = arith.constant 64 : i32
    %add3A_157 = arith.addi %mul3A_2, %add3A_156 : i32
    %dma_start3A_158 = arith.constant 0 : i32
    %dma_start3A_159 = tpu.memref_slice %arg6[%add3A_157, %dma_start3A_158] : memref<8192x1024xf32, #tpu.memory_space<hbm>> -> memref<16x1024xf32, #tpu.memory_space<hbm>>
    %dma_start3A_160 = arith.constant 0 : i32
    %dma_start3A_161 = tpu.memref_slice %arg6[%add3A_157, %dma_start3A_160] : memref<8192x1024xf32, #tpu.memory_space<hbm>> -> memref<16x1024xf32, #tpu.memory_space<hbm>>
    tpu.enqueue_dma source(%arg14 : memref<16x1024xf32, #tpu.memory_space<vmem>>) target(%dma_start3A_161 : memref<16x1024xf32, #tpu.memory_space<hbm>>) target_semaphore(%arg26 : memref<!tpu.dma_semaphore, #tpu.memory_space<semaphore_mem>>)
    %dma_wait3A_162 = arith.constant 0 : i32
    %dma_wait3A_163 = tpu.memref_slice %arg6[%add3A_157, %dma_wait3A_162] : memref<8192x1024xf32, #tpu.memory_space<hbm>> -> memref<16x1024xf32, #tpu.memory_space<hbm>>
    %dma_wait3A_164 = arith.constant 0 : i32
    %dma_wait3A_165 = tpu.memref_slice %arg6[%add3A_157, %dma_wait3A_164] : memref<8192x1024xf32, #tpu.memory_space<hbm>> -> memref<16x1024xf32, #tpu.memory_space<hbm>>
    tpu.wait_dma2 semaphore(%arg26 : memref<!tpu.dma_semaphore, #tpu.memory_space<semaphore_mem>>) src(%arg14 : memref<16x1024xf32, #tpu.memory_space<vmem>>) dst(%dma_wait3A_165 : memref<16x1024xf32, #tpu.memory_space<hbm>>)
    %dma_start3A_166 = arith.constant 160 : i32
    %dma_start3A_167 = tpu.memref_slice %arg9[%dma_start3A_166] : memref<256xi32, #tpu.memory_space<vmem>> -> memref<16xi32, #tpu.memory_space<vmem>>
    %dma_start3A_168 = arith.constant 0 : i32
    %dma_start3A_169 = arith.constant 0 : i32
    %dma_start3A_170 = tpu.memref_slice %arg5[%dma_start3A_168, %dma_start3A_169] : memref<32320x1024xf32, #tpu.memory_space<hbm>> -> memref<32320x1024xf32, #tpu.memory_space<hbm>>
    tpu.enqueue_indirect_dma source(%dma_start3A_170 : memref<32320x1024xf32, #tpu.memory_space<hbm>>) target(%arg14 : memref<16x1024xf32, #tpu.memory_space<vmem>>) offsets(%dma_start3A_167 : memref<16xi32, #tpu.memory_space<vmem>>) semaphore(%arg20 : memref<!tpu.dma_semaphore, #tpu.memory_space<semaphore_mem>>)
    %dma_wait3A_171 = arith.constant 80 : i32
    %dma_wait3A_172 = tpu.memref_slice %arg9[%dma_wait3A_171] : memref<256xi32, #tpu.memory_space<vmem>> -> memref<16xi32, #tpu.memory_space<vmem>>
    %dma_wait3A_173 = arith.constant 0 : i32
    %dma_wait3A_174 = arith.constant 0 : i32
    %dma_wait3A_175 = tpu.memref_slice %arg5[%dma_wait3A_173, %dma_wait3A_174] : memref<32320x1024xf32, #tpu.memory_space<hbm>> -> memref<32320x1024xf32, #tpu.memory_space<hbm>>
    tpu.wait_indirect_dma semaphore(%arg21 : memref<!tpu.dma_semaphore, #tpu.memory_space<semaphore_mem>>) src(%dma_wait3A_175 : memref<32320x1024xf32, #tpu.memory_space<hbm>>) dst(%arg15 : memref<16x1024xf32, #tpu.memory_space<vmem>>)
    %add3A_176 = arith.constant 80 : i32
    %add3A_177 = arith.addi %mul3A_2, %add3A_176 : i32
    %dma_start3A_178 = arith.constant 0 : i32
    %dma_start3A_179 = tpu.memref_slice %arg6[%add3A_177, %dma_start3A_178] : memref<8192x1024xf32, #tpu.memory_space<hbm>> -> memref<16x1024xf32, #tpu.memory_space<hbm>>
    %dma_start3A_180 = arith.constant 0 : i32
    %dma_start3A_181 = tpu.memref_slice %arg6[%add3A_177, %dma_start3A_180] : memref<8192x1024xf32, #tpu.memory_space<hbm>> -> memref<16x1024xf32, #tpu.memory_space<hbm>>
    tpu.enqueue_dma source(%arg15 : memref<16x1024xf32, #tpu.memory_space<vmem>>) target(%dma_start3A_181 : memref<16x1024xf32, #tpu.memory_space<hbm>>) target_semaphore(%arg27 : memref<!tpu.dma_semaphore, #tpu.memory_space<semaphore_mem>>)
    %dma_wait3A_182 = arith.constant 0 : i32
    %dma_wait3A_183 = tpu.memref_slice %arg6[%add3A_177, %dma_wait3A_182] : memref<8192x1024xf32, #tpu.memory_space<hbm>> -> memref<16x1024xf32, #tpu.memory_space<hbm>>
    %dma_wait3A_184 = arith.constant 0 : i32
    %dma_wait3A_185 = tpu.memref_slice %arg6[%add3A_177, %dma_wait3A_184] : memref<8192x1024xf32, #tpu.memory_space<hbm>> -> memref<16x1024xf32, #tpu.memory_space<hbm>>
    tpu.wait_dma2 semaphore(%arg27 : memref<!tpu.dma_semaphore, #tpu.memory_space<semaphore_mem>>) src(%arg15 : memref<16x1024xf32, #tpu.memory_space<vmem>>) dst(%dma_wait3A_185 : memref<16x1024xf32, #tpu.memory_space<hbm>>)
    %dma_start3A_186 = arith.constant 176 : i32
    %dma_start3A_187 = tpu.memref_slice %arg9[%dma_start3A_186] : memref<256xi32, #tpu.memory_space<vmem>> -> memref<16xi32, #tpu.memory_space<vmem>>
    %dma_start3A_188 = arith.constant 0 : i32
    %dma_start3A_189 = arith.constant 0 : i32
    %dma_start3A_190 = tpu.memref_slice %arg5[%dma_start3A_188, %dma_start3A_189] : memref<32320x1024xf32, #tpu.memory_space<hbm>> -> memref<32320x1024xf32, #tpu.memory_space<hbm>>
    tpu.enqueue_indirect_dma source(%dma_start3A_190 : memref<32320x1024xf32, #tpu.memory_space<hbm>>) target(%arg15 : memref<16x1024xf32, #tpu.memory_space<vmem>>) offsets(%dma_start3A_187 : memref<16xi32, #tpu.memory_space<vmem>>) semaphore(%arg21 : memref<!tpu.dma_semaphore, #tpu.memory_space<semaphore_mem>>)
    %dma_wait3A_191 = arith.constant 96 : i32
    %dma_wait3A_192 = tpu.memref_slice %arg9[%dma_wait3A_191] : memref<256xi32, #tpu.memory_space<vmem>> -> memref<16xi32, #tpu.memory_space<vmem>>
    %dma_wait3A_193 = arith.constant 0 : i32
    %dma_wait3A_194 = arith.constant 0 : i32
    %dma_wait3A_195 = tpu.memref_slice %arg5[%dma_wait3A_193, %dma_wait3A_194] : memref<32320x1024xf32, #tpu.memory_space<hbm>> -> memref<32320x1024xf32, #tpu.memory_space<hbm>>
    tpu.wait_indirect_dma semaphore(%arg16 : memref<!tpu.dma_semaphore, #tpu.memory_space<semaphore_mem>>) src(%dma_wait3A_195 : memref<32320x1024xf32, #tpu.memory_space<hbm>>) dst(%arg10 : memref<16x1024xf32, #tpu.memory_space<vmem>>)
    %add3A_196 = arith.constant 96 : i32
    %add3A_197 = arith.addi %mul3A_2, %add3A_196 : i32
    %dma_start3A_198 = arith.constant 0 : i32
    %dma_start3A_199 = tpu.memref_slice %arg6[%add3A_197, %dma_start3A_198] : memref<8192x1024xf32, #tpu.memory_space<hbm>> -> memref<16x1024xf32, #tpu.memory_space<hbm>>
    %dma_start3A_200 = arith.constant 0 : i32
    %dma_start3A_201 = tpu.memref_slice %arg6[%add3A_197, %dma_start3A_200] : memref<8192x1024xf32, #tpu.memory_space<hbm>> -> memref<16x1024xf32, #tpu.memory_space<hbm>>
    tpu.enqueue_dma source(%arg10 : memref<16x1024xf32, #tpu.memory_space<vmem>>) target(%dma_start3A_201 : memref<16x1024xf32, #tpu.memory_space<hbm>>) target_semaphore(%arg22 : memref<!tpu.dma_semaphore, #tpu.memory_space<semaphore_mem>>)
    %dma_wait3A_202 = arith.constant 0 : i32
    %dma_wait3A_203 = tpu.memref_slice %arg6[%add3A_197, %dma_wait3A_202] : memref<8192x1024xf32, #tpu.memory_space<hbm>> -> memref<16x1024xf32, #tpu.memory_space<hbm>>
    %dma_wait3A_204 = arith.constant 0 : i32
    %dma_wait3A_205 = tpu.memref_slice %arg6[%add3A_197, %dma_wait3A_204] : memref<8192x1024xf32, #tpu.memory_space<hbm>> -> memref<16x1024xf32, #tpu.memory_space<hbm>>
    tpu.wait_dma2 semaphore(%arg22 : memref<!tpu.dma_semaphore, #tpu.memory_space<semaphore_mem>>) src(%arg10 : memref<16x1024xf32, #tpu.memory_space<vmem>>) dst(%dma_wait3A_205 : memref<16x1024xf32, #tpu.memory_space<hbm>>)
    %dma_start3A_206 = arith.constant 192 : i32
    %dma_start3A_207 = tpu.memref_slice %arg9[%dma_start3A_206] : memref<256xi32, #tpu.memory_space<vmem>> -> memref<16xi32, #tpu.memory_space<vmem>>
    %dma_start3A_208 = arith.constant 0 : i32
    %dma_start3A_209 = arith.constant 0 : i32
    %dma_start3A_210 = tpu.memref_slice %arg5[%dma_start3A_208, %dma_start3A_209] : memref<32320x1024xf32, #tpu.memory_space<hbm>> -> memref<32320x1024xf32, #tpu.memory_space<hbm>>
    tpu.enqueue_indirect_dma source(%dma_start3A_210 : memref<32320x1024xf32, #tpu.memory_space<hbm>>) target(%arg10 : memref<16x1024xf32, #tpu.memory_space<vmem>>) offsets(%dma_start3A_207 : memref<16xi32, #tpu.memory_space<vmem>>) semaphore(%arg16 : memref<!tpu.dma_semaphore, #tpu.memory_space<semaphore_mem>>)
    %dma_wait3A_211 = arith.constant 112 : i32
    %dma_wait3A_212 = tpu.memref_slice %arg9[%dma_wait3A_211] : memref<256xi32, #tpu.memory_space<vmem>> -> memref<16xi32, #tpu.memory_space<vmem>>
    %dma_wait3A_213 = arith.constant 0 : i32
    %dma_wait3A_214 = arith.constant 0 : i32
    %dma_wait3A_215 = tpu.memref_slice %arg5[%dma_wait3A_213, %dma_wait3A_214] : memref<32320x1024xf32, #tpu.memory_space<hbm>> -> memref<32320x1024xf32, #tpu.memory_space<hbm>>
    tpu.wait_indirect_dma semaphore(%arg17 : memref<!tpu.dma_semaphore, #tpu.memory_space<semaphore_mem>>) src(%dma_wait3A_215 : memref<32320x1024xf32, #tpu.memory_space<hbm>>) dst(%arg11 : memref<16x1024xf32, #tpu.memory_space<vmem>>)
    %add3A_216 = arith.constant 112 : i32
    %add3A_217 = arith.addi %mul3A_2, %add3A_216 : i32
    %dma_start3A_218 = arith.constant 0 : i32
    %dma_start3A_219 = tpu.memref_slice %arg6[%add3A_217, %dma_start3A_218] : memref<8192x1024xf32, #tpu.memory_space<hbm>> -> memref<16x1024xf32, #tpu.memory_space<hbm>>
    %dma_start3A_220 = arith.constant 0 : i32
    %dma_start3A_221 = tpu.memref_slice %arg6[%add3A_217, %dma_start3A_220] : memref<8192x1024xf32, #tpu.memory_space<hbm>> -> memref<16x1024xf32, #tpu.memory_space<hbm>>
    tpu.enqueue_dma source(%arg11 : memref<16x1024xf32, #tpu.memory_space<vmem>>) target(%dma_start3A_221 : memref<16x1024xf32, #tpu.memory_space<hbm>>) target_semaphore(%arg23 : memref<!tpu.dma_semaphore, #tpu.memory_space<semaphore_mem>>)
    %dma_wait3A_222 = arith.constant 0 : i32
    %dma_wait3A_223 = tpu.memref_slice %arg6[%add3A_217, %dma_wait3A_222] : memref<8192x1024xf32, #tpu.memory_space<hbm>> -> memref<16x1024xf32, #tpu.memory_space<hbm>>
    %dma_wait3A_224 = arith.constant 0 : i32
    %dma_wait3A_225 = tpu.memref_slice %arg6[%add3A_217, %dma_wait3A_224] : memref<8192x1024xf32, #tpu.memory_space<hbm>> -> memref<16x1024xf32, #tpu.memory_space<hbm>>
    tpu.wait_dma2 semaphore(%arg23 : memref<!tpu.dma_semaphore, #tpu.memory_space<semaphore_mem>>) src(%arg11 : memref<16x1024xf32, #tpu.memory_space<vmem>>) dst(%dma_wait3A_225 : memref<16x1024xf32, #tpu.memory_space<hbm>>)
    %dma_start3A_226 = arith.constant 208 : i32
    %dma_start3A_227 = tpu.memref_slice %arg9[%dma_start3A_226] : memref<256xi32, #tpu.memory_space<vmem>> -> memref<16xi32, #tpu.memory_space<vmem>>
    %dma_start3A_228 = arith.constant 0 : i32
    %dma_start3A_229 = arith.constant 0 : i32
    %dma_start3A_230 = tpu.memref_slice %arg5[%dma_start3A_228, %dma_start3A_229] : memref<32320x1024xf32, #tpu.memory_space<hbm>> -> memref<32320x1024xf32, #tpu.memory_space<hbm>>
    tpu.enqueue_indirect_dma source(%dma_start3A_230 : memref<32320x1024xf32, #tpu.memory_space<hbm>>) target(%arg11 : memref<16x1024xf32, #tpu.memory_space<vmem>>) offsets(%dma_start3A_227 : memref<16xi32, #tpu.memory_space<vmem>>) semaphore(%arg17 : memref<!tpu.dma_semaphore, #tpu.memory_space<semaphore_mem>>)
    %dma_wait3A_231 = arith.constant 128 : i32
    %dma_wait3A_232 = tpu.memref_slice %arg9[%dma_wait3A_231] : memref<256xi32, #tpu.memory_space<vmem>> -> memref<16xi32, #tpu.memory_space<vmem>>
    %dma_wait3A_233 = arith.constant 0 : i32
    %dma_wait3A_234 = arith.constant 0 : i32
    %dma_wait3A_235 = tpu.memref_slice %arg5[%dma_wait3A_233, %dma_wait3A_234] : memref<32320x1024xf32, #tpu.memory_space<hbm>> -> memref<32320x1024xf32, #tpu.memory_space<hbm>>
    tpu.wait_indirect_dma semaphore(%arg18 : memref<!tpu.dma_semaphore, #tpu.memory_space<semaphore_mem>>) src(%dma_wait3A_235 : memref<32320x1024xf32, #tpu.memory_space<hbm>>) dst(%arg12 : memref<16x1024xf32, #tpu.memory_space<vmem>>)
    %add3A_236 = arith.constant 128 : i32
    %add3A_237 = arith.addi %mul3A_2, %add3A_236 : i32
    %dma_start3A_238 = arith.constant 0 : i32
    %dma_start3A_239 = tpu.memref_slice %arg6[%add3A_237, %dma_start3A_238] : memref<8192x1024xf32, #tpu.memory_space<hbm>> -> memref<16x1024xf32, #tpu.memory_space<hbm>>
    %dma_start3A_240 = arith.constant 0 : i32
    %dma_start3A_241 = tpu.memref_slice %arg6[%add3A_237, %dma_start3A_240] : memref<8192x1024xf32, #tpu.memory_space<hbm>> -> memref<16x1024xf32, #tpu.memory_space<hbm>>
    tpu.enqueue_dma source(%arg12 : memref<16x1024xf32, #tpu.memory_space<vmem>>) target(%dma_start3A_241 : memref<16x1024xf32, #tpu.memory_space<hbm>>) target_semaphore(%arg24 : memref<!tpu.dma_semaphore, #tpu.memory_space<semaphore_mem>>)
    %dma_wait3A_242 = arith.constant 0 : i32
    %dma_wait3A_243 = tpu.memref_slice %arg6[%add3A_237, %dma_wait3A_242] : memref<8192x1024xf32, #tpu.memory_space<hbm>> -> memref<16x1024xf32, #tpu.memory_space<hbm>>
    %dma_wait3A_244 = arith.constant 0 : i32
    %dma_wait3A_245 = tpu.memref_slice %arg6[%add3A_237, %dma_wait3A_244] : memref<8192x1024xf32, #tpu.memory_space<hbm>> -> memref<16x1024xf32, #tpu.memory_space<hbm>>
    tpu.wait_dma2 semaphore(%arg24 : memref<!tpu.dma_semaphore, #tpu.memory_space<semaphore_mem>>) src(%arg12 : memref<16x1024xf32, #tpu.memory_space<vmem>>) dst(%dma_wait3A_245 : memref<16x1024xf32, #tpu.memory_space<hbm>>)
    %dma_start3A_246 = arith.constant 224 : i32
    %dma_start3A_247 = tpu.memref_slice %arg9[%dma_start3A_246] : memref<256xi32, #tpu.memory_space<vmem>> -> memref<16xi32, #tpu.memory_space<vmem>>
    %dma_start3A_248 = arith.constant 0 : i32
    %dma_start3A_249 = arith.constant 0 : i32
    %dma_start3A_250 = tpu.memref_slice %arg5[%dma_start3A_248, %dma_start3A_249] : memref<32320x1024xf32, #tpu.memory_space<hbm>> -> memref<32320x1024xf32, #tpu.memory_space<hbm>>
    tpu.enqueue_indirect_dma source(%dma_start3A_250 : memref<32320x1024xf32, #tpu.memory_space<hbm>>) target(%arg12 : memref<16x1024xf32, #tpu.memory_space<vmem>>) offsets(%dma_start3A_247 : memref<16xi32, #tpu.memory_space<vmem>>) semaphore(%arg18 : memref<!tpu.dma_semaphore, #tpu.memory_space<semaphore_mem>>)
    %dma_wait3A_251 = arith.constant 144 : i32
    %dma_wait3A_252 = tpu.memref_slice %arg9[%dma_wait3A_251] : memref<256xi32, #tpu.memory_space<vmem>> -> memref<16xi32, #tpu.memory_space<vmem>>
    %dma_wait3A_253 = arith.constant 0 : i32
    %dma_wait3A_254 = arith.constant 0 : i32
    %dma_wait3A_255 = tpu.memref_slice %arg5[%dma_wait3A_253, %dma_wait3A_254] : memref<32320x1024xf32, #tpu.memory_space<hbm>> -> memref<32320x1024xf32, #tpu.memory_space<hbm>>
    tpu.wait_indirect_dma semaphore(%arg19 : memref<!tpu.dma_semaphore, #tpu.memory_space<semaphore_mem>>) src(%dma_wait3A_255 : memref<32320x1024xf32, #tpu.memory_space<hbm>>) dst(%arg13 : memref<16x1024xf32, #tpu.memory_space<vmem>>)
    %add3A_256 = arith.constant 144 : i32
    %add3A_257 = arith.addi %mul3A_2, %add3A_256 : i32
    %dma_start3A_258 = arith.constant 0 : i32
    %dma_start3A_259 = tpu.memref_slice %arg6[%add3A_257, %dma_start3A_258] : memref<8192x1024xf32, #tpu.memory_space<hbm>> -> memref<16x1024xf32, #tpu.memory_space<hbm>>
    %dma_start3A_260 = arith.constant 0 : i32
    %dma_start3A_261 = tpu.memref_slice %arg6[%add3A_257, %dma_start3A_260] : memref<8192x1024xf32, #tpu.memory_space<hbm>> -> memref<16x1024xf32, #tpu.memory_space<hbm>>
    tpu.enqueue_dma source(%arg13 : memref<16x1024xf32, #tpu.memory_space<vmem>>) target(%dma_start3A_261 : memref<16x1024xf32, #tpu.memory_space<hbm>>) target_semaphore(%arg25 : memref<!tpu.dma_semaphore, #tpu.memory_space<semaphore_mem>>)
    %dma_wait3A_262 = arith.constant 0 : i32
    %dma_wait3A_263 = tpu.memref_slice %arg6[%add3A_257, %dma_wait3A_262] : memref<8192x1024xf32, #tpu.memory_space<hbm>> -> memref<16x1024xf32, #tpu.memory_space<hbm>>
    %dma_wait3A_264 = arith.constant 0 : i32
    %dma_wait3A_265 = tpu.memref_slice %arg6[%add3A_257, %dma_wait3A_264] : memref<8192x1024xf32, #tpu.memory_space<hbm>> -> memref<16x1024xf32, #tpu.memory_space<hbm>>
    tpu.wait_dma2 semaphore(%arg25 : memref<!tpu.dma_semaphore, #tpu.memory_space<semaphore_mem>>) src(%arg13 : memref<16x1024xf32, #tpu.memory_space<vmem>>) dst(%dma_wait3A_265 : memref<16x1024xf32, #tpu.memory_space<hbm>>)
    %dma_start3A_266 = arith.constant 240 : i32
    %dma_start3A_267 = tpu.memref_slice %arg9[%dma_start3A_266] : memref<256xi32, #tpu.memory_space<vmem>> -> memref<16xi32, #tpu.memory_space<vmem>>
    %dma_start3A_268 = arith.constant 0 : i32
    %dma_start3A_269 = arith.constant 0 : i32
    %dma_start3A_270 = tpu.memref_slice %arg5[%dma_start3A_268, %dma_start3A_269] : memref<32320x1024xf32, #tpu.memory_space<hbm>> -> memref<32320x1024xf32, #tpu.memory_space<hbm>>
    tpu.enqueue_indirect_dma source(%dma_start3A_270 : memref<32320x1024xf32, #tpu.memory_space<hbm>>) target(%arg13 : memref<16x1024xf32, #tpu.memory_space<vmem>>) offsets(%dma_start3A_267 : memref<16xi32, #tpu.memory_space<vmem>>) semaphore(%arg19 : memref<!tpu.dma_semaphore, #tpu.memory_space<semaphore_mem>>)
    %dma_wait3A_271 = arith.constant 160 : i32
    %dma_wait3A_272 = tpu.memref_slice %arg9[%dma_wait3A_271] : memref<256xi32, #tpu.memory_space<vmem>> -> memref<16xi32, #tpu.memory_space<vmem>>
    %dma_wait3A_273 = arith.constant 0 : i32
    %dma_wait3A_274 = arith.constant 0 : i32
    %dma_wait3A_275 = tpu.memref_slice %arg5[%dma_wait3A_273, %dma_wait3A_274] : memref<32320x1024xf32, #tpu.memory_space<hbm>> -> memref<32320x1024xf32, #tpu.memory_space<hbm>>
    tpu.wait_indirect_dma semaphore(%arg20 : memref<!tpu.dma_semaphore, #tpu.memory_space<semaphore_mem>>) src(%dma_wait3A_275 : memref<32320x1024xf32, #tpu.memory_space<hbm>>) dst(%arg14 : memref<16x1024xf32, #tpu.memory_space<vmem>>)
    %add3A_276 = arith.constant 160 : i32
    %add3A_277 = arith.addi %mul3A_2, %add3A_276 : i32
    %dma_start3A_278 = arith.constant 0 : i32
    %dma_start3A_279 = tpu.memref_slice %arg6[%add3A_277, %dma_start3A_278] : memref<8192x1024xf32, #tpu.memory_space<hbm>> -> memref<16x1024xf32, #tpu.memory_space<hbm>>
    %dma_start3A_280 = arith.constant 0 : i32
    %dma_start3A_281 = tpu.memref_slice %arg6[%add3A_277, %dma_start3A_280] : memref<8192x1024xf32, #tpu.memory_space<hbm>> -> memref<16x1024xf32, #tpu.memory_space<hbm>>
    tpu.enqueue_dma source(%arg14 : memref<16x1024xf32, #tpu.memory_space<vmem>>) target(%dma_start3A_281 : memref<16x1024xf32, #tpu.memory_space<hbm>>) target_semaphore(%arg26 : memref<!tpu.dma_semaphore, #tpu.memory_space<semaphore_mem>>)
    %dma_wait3A_282 = arith.constant 176 : i32
    %dma_wait3A_283 = tpu.memref_slice %arg9[%dma_wait3A_282] : memref<256xi32, #tpu.memory_space<vmem>> -> memref<16xi32, #tpu.memory_space<vmem>>
    %dma_wait3A_284 = arith.constant 0 : i32
    %dma_wait3A_285 = arith.constant 0 : i32
    %dma_wait3A_286 = tpu.memref_slice %arg5[%dma_wait3A_284, %dma_wait3A_285] : memref<32320x1024xf32, #tpu.memory_space<hbm>> -> memref<32320x1024xf32, #tpu.memory_space<hbm>>
    tpu.wait_indirect_dma semaphore(%arg21 : memref<!tpu.dma_semaphore, #tpu.memory_space<semaphore_mem>>) src(%dma_wait3A_286 : memref<32320x1024xf32, #tpu.memory_space<hbm>>) dst(%arg15 : memref<16x1024xf32, #tpu.memory_space<vmem>>)
    %add3A_287 = arith.constant 176 : i32
    %add3A_288 = arith.addi %mul3A_2, %add3A_287 : i32
    %dma_start3A_289 = arith.constant 0 : i32
    %dma_start3A_290 = tpu.memref_slice %arg6[%add3A_288, %dma_start3A_289] : memref<8192x1024xf32, #tpu.memory_space<hbm>> -> memref<16x1024xf32, #tpu.memory_space<hbm>>
    %dma_start3A_291 = arith.constant 0 : i32
    %dma_start3A_292 = tpu.memref_slice %arg6[%add3A_288, %dma_start3A_291] : memref<8192x1024xf32, #tpu.memory_space<hbm>> -> memref<16x1024xf32, #tpu.memory_space<hbm>>
    tpu.enqueue_dma source(%arg15 : memref<16x1024xf32, #tpu.memory_space<vmem>>) target(%dma_start3A_292 : memref<16x1024xf32, #tpu.memory_space<hbm>>) target_semaphore(%arg27 : memref<!tpu.dma_semaphore, #tpu.memory_space<semaphore_mem>>)
    %dma_wait3A_293 = arith.constant 192 : i32
    %dma_wait3A_294 = tpu.memref_slice %arg9[%dma_wait3A_293] : memref<256xi32, #tpu.memory_space<vmem>> -> memref<16xi32, #tpu.memory_space<vmem>>
    %dma_wait3A_295 = arith.constant 0 : i32
    %dma_wait3A_296 = arith.constant 0 : i32
    %dma_wait3A_297 = tpu.memref_slice %arg5[%dma_wait3A_295, %dma_wait3A_296] : memref<32320x1024xf32, #tpu.memory_space<hbm>> -> memref<32320x1024xf32, #tpu.memory_space<hbm>>
    tpu.wait_indirect_dma semaphore(%arg16 : memref<!tpu.dma_semaphore, #tpu.memory_space<semaphore_mem>>) src(%dma_wait3A_297 : memref<32320x1024xf32, #tpu.memory_space<hbm>>) dst(%arg10 : memref<16x1024xf32, #tpu.memory_space<vmem>>)
    %add3A_298 = arith.constant 192 : i32
    %add3A_299 = arith.addi %mul3A_2, %add3A_298 : i32
    %dma_start3A_300 = arith.constant 0 : i32
    %dma_start3A_301 = tpu.memref_slice %arg6[%add3A_299, %dma_start3A_300] : memref<8192x1024xf32, #tpu.memory_space<hbm>> -> memref<16x1024xf32, #tpu.memory_space<hbm>>
    %dma_start3A_302 = arith.constant 0 : i32
    %dma_start3A_303 = tpu.memref_slice %arg6[%add3A_299, %dma_start3A_302] : memref<8192x1024xf32, #tpu.memory_space<hbm>> -> memref<16x1024xf32, #tpu.memory_space<hbm>>
    tpu.enqueue_dma source(%arg10 : memref<16x1024xf32, #tpu.memory_space<vmem>>) target(%dma_start3A_303 : memref<16x1024xf32, #tpu.memory_space<hbm>>) target_semaphore(%arg22 : memref<!tpu.dma_semaphore, #tpu.memory_space<semaphore_mem>>)
    %dma_wait3A_304 = arith.constant 208 : i32
    %dma_wait3A_305 = tpu.memref_slice %arg9[%dma_wait3A_304] : memref<256xi32, #tpu.memory_space<vmem>> -> memref<16xi32, #tpu.memory_space<vmem>>
    %dma_wait3A_306 = arith.constant 0 : i32
    %dma_wait3A_307 = arith.constant 0 : i32
    %dma_wait3A_308 = tpu.memref_slice %arg5[%dma_wait3A_306, %dma_wait3A_307] : memref<32320x1024xf32, #tpu.memory_space<hbm>> -> memref<32320x1024xf32, #tpu.memory_space<hbm>>
    tpu.wait_indirect_dma semaphore(%arg17 : memref<!tpu.dma_semaphore, #tpu.memory_space<semaphore_mem>>) src(%dma_wait3A_308 : memref<32320x1024xf32, #tpu.memory_space<hbm>>) dst(%arg11 : memref<16x1024xf32, #tpu.memory_space<vmem>>)
    %add3A_309 = arith.constant 208 : i32
    %add3A_310 = arith.addi %mul3A_2, %add3A_309 : i32
    %dma_start3A_311 = arith.constant 0 : i32
    %dma_start3A_312 = tpu.memref_slice %arg6[%add3A_310, %dma_start3A_311] : memref<8192x1024xf32, #tpu.memory_space<hbm>> -> memref<16x1024xf32, #tpu.memory_space<hbm>>
    %dma_start3A_313 = arith.constant 0 : i32
    %dma_start3A_314 = tpu.memref_slice %arg6[%add3A_310, %dma_start3A_313] : memref<8192x1024xf32, #tpu.memory_space<hbm>> -> memref<16x1024xf32, #tpu.memory_space<hbm>>
    tpu.enqueue_dma source(%arg11 : memref<16x1024xf32, #tpu.memory_space<vmem>>) target(%dma_start3A_314 : memref<16x1024xf32, #tpu.memory_space<hbm>>) target_semaphore(%arg23 : memref<!tpu.dma_semaphore, #tpu.memory_space<semaphore_mem>>)
    %dma_wait3A_315 = arith.constant 224 : i32
    %dma_wait3A_316 = tpu.memref_slice %arg9[%dma_wait3A_315] : memref<256xi32, #tpu.memory_space<vmem>> -> memref<16xi32, #tpu.memory_space<vmem>>
    %dma_wait3A_317 = arith.constant 0 : i32
    %dma_wait3A_318 = arith.constant 0 : i32
    %dma_wait3A_319 = tpu.memref_slice %arg5[%dma_wait3A_317, %dma_wait3A_318] : memref<32320x1024xf32, #tpu.memory_space<hbm>> -> memref<32320x1024xf32, #tpu.memory_space<hbm>>
    tpu.wait_indirect_dma semaphore(%arg18 : memref<!tpu.dma_semaphore, #tpu.memory_space<semaphore_mem>>) src(%dma_wait3A_319 : memref<32320x1024xf32, #tpu.memory_space<hbm>>) dst(%arg12 : memref<16x1024xf32, #tpu.memory_space<vmem>>)
    %add3A_320 = arith.constant 224 : i32
    %add3A_321 = arith.addi %mul3A_2, %add3A_320 : i32
    %dma_start3A_322 = arith.constant 0 : i32
    %dma_start3A_323 = tpu.memref_slice %arg6[%add3A_321, %dma_start3A_322] : memref<8192x1024xf32, #tpu.memory_space<hbm>> -> memref<16x1024xf32, #tpu.memory_space<hbm>>
    %dma_start3A_324 = arith.constant 0 : i32
    %dma_start3A_325 = tpu.memref_slice %arg6[%add3A_321, %dma_start3A_324] : memref<8192x1024xf32, #tpu.memory_space<hbm>> -> memref<16x1024xf32, #tpu.memory_space<hbm>>
    tpu.enqueue_dma source(%arg12 : memref<16x1024xf32, #tpu.memory_space<vmem>>) target(%dma_start3A_325 : memref<16x1024xf32, #tpu.memory_space<hbm>>) target_semaphore(%arg24 : memref<!tpu.dma_semaphore, #tpu.memory_space<semaphore_mem>>)
    %dma_wait3A_326 = arith.constant 240 : i32
    %dma_wait3A_327 = tpu.memref_slice %arg9[%dma_wait3A_326] : memref<256xi32, #tpu.memory_space<vmem>> -> memref<16xi32, #tpu.memory_space<vmem>>
    %dma_wait3A_328 = arith.constant 0 : i32
    %dma_wait3A_329 = arith.constant 0 : i32
    %dma_wait3A_330 = tpu.memref_slice %arg5[%dma_wait3A_328, %dma_wait3A_329] : memref<32320x1024xf32, #tpu.memory_space<hbm>> -> memref<32320x1024xf32, #tpu.memory_space<hbm>>
    tpu.wait_indirect_dma semaphore(%arg19 : memref<!tpu.dma_semaphore, #tpu.memory_space<semaphore_mem>>) src(%dma_wait3A_330 : memref<32320x1024xf32, #tpu.memory_space<hbm>>) dst(%arg13 : memref<16x1024xf32, #tpu.memory_space<vmem>>)
    %add3A_331 = arith.constant 240 : i32
    %add3A_332 = arith.addi %mul3A_2, %add3A_331 : i32
    %dma_start3A_333 = arith.constant 0 : i32
    %dma_start3A_334 = tpu.memref_slice %arg6[%add3A_332, %dma_start3A_333] : memref<8192x1024xf32, #tpu.memory_space<hbm>> -> memref<16x1024xf32, #tpu.memory_space<hbm>>
    %dma_start3A_335 = arith.constant 0 : i32
    %dma_start3A_336 = tpu.memref_slice %arg6[%add3A_332, %dma_start3A_335] : memref<8192x1024xf32, #tpu.memory_space<hbm>> -> memref<16x1024xf32, #tpu.memory_space<hbm>>
    tpu.enqueue_dma source(%arg13 : memref<16x1024xf32, #tpu.memory_space<vmem>>) target(%dma_start3A_336 : memref<16x1024xf32, #tpu.memory_space<hbm>>) target_semaphore(%arg25 : memref<!tpu.dma_semaphore, #tpu.memory_space<semaphore_mem>>)
    %dma_wait3A_337 = arith.constant 0 : i32
    %dma_wait3A_338 = tpu.memref_slice %arg6[%add3A_277, %dma_wait3A_337] : memref<8192x1024xf32, #tpu.memory_space<hbm>> -> memref<16x1024xf32, #tpu.memory_space<hbm>>
    %dma_wait3A_339 = arith.constant 0 : i32
    %dma_wait3A_340 = tpu.memref_slice %arg6[%add3A_277, %dma_wait3A_339] : memref<8192x1024xf32, #tpu.memory_space<hbm>> -> memref<16x1024xf32, #tpu.memory_space<hbm>>
    tpu.wait_dma2 semaphore(%arg26 : memref<!tpu.dma_semaphore, #tpu.memory_space<semaphore_mem>>) src(%arg14 : memref<16x1024xf32, #tpu.memory_space<vmem>>) dst(%dma_wait3A_340 : memref<16x1024xf32, #tpu.memory_space<hbm>>)
    %dma_wait3A_341 = arith.constant 0 : i32
    %dma_wait3A_342 = tpu.memref_slice %arg6[%add3A_288, %dma_wait3A_341] : memref<8192x1024xf32, #tpu.memory_space<hbm>> -> memref<16x1024xf32, #tpu.memory_space<hbm>>
    %dma_wait3A_343 = arith.constant 0 : i32
    %dma_wait3A_344 = tpu.memref_slice %arg6[%add3A_288, %dma_wait3A_343] : memref<8192x1024xf32, #tpu.memory_space<hbm>> -> memref<16x1024xf32, #tpu.memory_space<hbm>>
    tpu.wait_dma2 semaphore(%arg27 : memref<!tpu.dma_semaphore, #tpu.memory_space<semaphore_mem>>) src(%arg15 : memref<16x1024xf32, #tpu.memory_space<vmem>>) dst(%dma_wait3A_344 : memref<16x1024xf32, #tpu.memory_space<hbm>>)
    %dma_wait3A_345 = arith.constant 0 : i32
    %dma_wait3A_346 = tpu.memref_slice %arg6[%add3A_299, %dma_wait3A_345] : memref<8192x1024xf32, #tpu.memory_space<hbm>> -> memref<16x1024xf32, #tpu.memory_space<hbm>>
    %dma_wait3A_347 = arith.constant 0 : i32
    %dma_wait3A_348 = tpu.memref_slice %arg6[%add3A_299, %dma_wait3A_347] : memref<8192x1024xf32, #tpu.memory_space<hbm>> -> memref<16x1024xf32, #tpu.memory_space<hbm>>
    tpu.wait_dma2 semaphore(%arg22 : memref<!tpu.dma_semaphore, #tpu.memory_space<semaphore_mem>>) src(%arg10 : memref<16x1024xf32, #tpu.memory_space<vmem>>) dst(%dma_wait3A_348 : memref<16x1024xf32, #tpu.memory_space<hbm>>)
    %dma_wait3A_349 = arith.constant 0 : i32
    %dma_wait3A_350 = tpu.memref_slice %arg6[%add3A_310, %dma_wait3A_349] : memref<8192x1024xf32, #tpu.memory_space<hbm>> -> memref<16x1024xf32, #tpu.memory_space<hbm>>
    %dma_wait3A_351 = arith.constant 0 : i32
    %dma_wait3A_352 = tpu.memref_slice %arg6[%add3A_310, %dma_wait3A_351] : memref<8192x1024xf32, #tpu.memory_space<hbm>> -> memref<16x1024xf32, #tpu.memory_space<hbm>>
    tpu.wait_dma2 semaphore(%arg23 : memref<!tpu.dma_semaphore, #tpu.memory_space<semaphore_mem>>) src(%arg11 : memref<16x1024xf32, #tpu.memory_space<vmem>>) dst(%dma_wait3A_352 : memref<16x1024xf32, #tpu.memory_space<hbm>>)
    %dma_wait3A_353 = arith.constant 0 : i32
    %dma_wait3A_354 = tpu.memref_slice %arg6[%add3A_321, %dma_wait3A_353] : memref<8192x1024xf32, #tpu.memory_space<hbm>> -> memref<16x1024xf32, #tpu.memory_space<hbm>>
    %dma_wait3A_355 = arith.constant 0 : i32
    %dma_wait3A_356 = tpu.memref_slice %arg6[%add3A_321, %dma_wait3A_355] : memref<8192x1024xf32, #tpu.memory_space<hbm>> -> memref<16x1024xf32, #tpu.memory_space<hbm>>
    tpu.wait_dma2 semaphore(%arg24 : memref<!tpu.dma_semaphore, #tpu.memory_space<semaphore_mem>>) src(%arg12 : memref<16x1024xf32, #tpu.memory_space<vmem>>) dst(%dma_wait3A_356 : memref<16x1024xf32, #tpu.memory_space<hbm>>)
    %dma_wait3A_357 = arith.constant 0 : i32
    %dma_wait3A_358 = tpu.memref_slice %arg6[%add3A_332, %dma_wait3A_357] : memref<8192x1024xf32, #tpu.memory_space<hbm>> -> memref<16x1024xf32, #tpu.memory_space<hbm>>
    %dma_wait3A_359 = arith.constant 0 : i32
    %dma_wait3A_360 = tpu.memref_slice %arg6[%add3A_332, %dma_wait3A_359] : memref<8192x1024xf32, #tpu.memory_space<hbm>> -> memref<16x1024xf32, #tpu.memory_space<hbm>>
    tpu.wait_dma2 semaphore(%arg25 : memref<!tpu.dma_semaphore, #tpu.memory_space<semaphore_mem>>) src(%arg13 : memref<16x1024xf32, #tpu.memory_space<vmem>>) dst(%dma_wait3A_360 : memref<16x1024xf32, #tpu.memory_space<hbm>>)
    %eq3A_361 = arith.constant 0 : i32
    %eq3A_362 = arith.cmpi eq, %add3A, %eq3A_361 : i32
    %convert_element_type3A_363 = arith.extui %eq3A_362 : i1 to i32
    %cond3A_364 = arith.constant 0 : i32
    %cond3A_365 = arith.cmpi ne, %convert_element_type3A_363, %cond3A_364 : i32
    scf.if %cond3A_365 {
      tpu.wait_dma2 semaphore(%arg28 : memref<!tpu.dma_semaphore, #tpu.memory_space<semaphore_mem>>) src(%arg3 : memref<4x2048xf32, #tpu.memory_space<hbm>>) dst(%arg7 : memref<4x2048xf32, #tpu.memory_space<hbm>>)
    } else {
    }
    %eq3A_366 = arith.constant 1 : i32
    %eq3A_367 = arith.cmpi eq, %add3A, %eq3A_366 : i32
    %convert_element_type3A_368 = arith.extui %eq3A_367 : i1 to i32
    %cond3A_369 = arith.constant 0 : i32
    %cond3A_370 = arith.cmpi ne, %convert_element_type3A_368, %cond3A_369 : i32
    scf.if %cond3A_370 {
      tpu.wait_dma2 semaphore(%arg28 : memref<!tpu.dma_semaphore, #tpu.memory_space<semaphore_mem>>) src(%arg4 : memref<4x2048xf32, #tpu.memory_space<hbm>>) dst(%arg8 : memref<4x2048xf32, #tpu.memory_space<hbm>>)
    } else {
    }
    return
  }
}

</mosaic_0001>

<sc_bundles>
// kernel: kernel.3.cloned.1.call-start
scs
__scs_entry_jumppad:
0x0: {  	(pc) =	sbr.rel $0x88, $3  }
0x1: {  	(tag) =	ssettag $0x0;
	lr =	simm.s32 $0x1  }
0x2: {  	[smem:$0x3F9D] =	sst lr;
	_ =	strace $0xD0000000  }
0x3: {  	_ = 	snop  }
0x4: {  	_ = 	snop  }
0x5: {  	_ = 	snop  }
0x6: {  	_ = 	snop  }
0x7: {  	_ = 	snop  }
__scs_overlays_trampoline_lowered:
0x8: {  	[smem:$0x3FAC] =	sst s0  }
0x9: {  	[smem:$0x3FAD] =	sst s1  }
0xa: {  	[smem:$0x3FAE] =	sst s2  }
0xb: {  	[smem:$0x3FAF] =	sst s3  }
0xc: {  	[smem:$0x3FB0] =	sst s4  }
0xd: {  	[smem:$0x3FB1] =	sst s5  }
0xe: {  	[smem:$0x3FB2] =	sst s6  }
0xf: {  	[smem:$0x3FB3] =	sst s7  }
0x10: {  	[smem:$0x3FB4] =	sst s8  }
0x11: {  	[smem:$0x3FB5] =	sst s9;
	s0 =	simm.s32 @!p0 $0x0  }
0x12: {  	s1 =	sld [smem:$0x3F9B];
	s0 =	simm.s32 @p0 $0x1  }
0x13: {  	[smem:$0x3FB6] =	sst s0;
	s0 =	simm.s32 @!p1 $0x0  }
0x14: {  	s2 =	sld [smem:$0x3F9A];
	s0 =	simm.s32 @p1 $0x1  }
0x15: {  	[smem:$0x3FB7] =	sst s0;
	s0 =	simm.s32 @!p2 $0x0  }
0x16: {  	s3 =	sld [smem:$0x3FDB];
	s0 =	simm.s32 @p2 $0x1  }
0x17: {  	s4 =	simm.s32 $0x1BF5;
	[smem:$0x3FB9] =	sst s0  }
0x18: {  	s0 =	sld [smem:$0x3F9C];
	_ =	swait.ge [sflag:s4], $0x0  }
0x19: {  	s7 =	sld [smem:$0x3F9D]  }
0x1a: {  	s8 =	sadd.s32 $0xFFFFE003, lr  }
0x1b: {  	s9 =	sadd.s32 $0xFFFFFEF7, lr;
	s5 =	simm.s32 $0xFFFFFFFF;
	p2 =	slt.u32 s8, $0xFFFFF086  }
0x1c: {  	p1 =	slt.u32 s9, $0xF7A;
	s5 =	simm.s32 @!p2 $0x0  }
0x1d: {  	s5 =	simm.s32 @p1 $0x1;
	p0 =	seq.s32 s7, s2  }
0x1e: {  	s7 =	smul.u32 @!p0 $0xF7A, s2;
	p2 =	seq.s32 @!p0 s5, $0x0  }
0x1f: {  	s9 =	smul.u32 $0xF7A, s1;
	s8 =	simm.s32 @!p0 $0x1BF5;
	p2 =	por !p2, p0  }
0x20: {  	[sflag:s8] =	ssyncset.s32 @!p0 $0xFFFFF086;
	s6 =	sadd.s32 @!p0 s3, s7;
	s7 =	simm.s32 @!p0 $0x108  }
0x21: {  	s3 =	sadd.s32 s3, s9;
	s6 =	sadd.s32 @!p0 $0x88, s6;
	s7 =	simm.s32 @p2 $0x1082  }
0x22: {  	[simem:s7], [sflag:s8] =	dma.local @!p0 [hbm:s6], $0xF7A  }
0x23: {  	s9 =	sor.u32 $0xD0000000, s2;
	s6 =	simm.s32 $0x108;
	_ =	swait.ge @!p0 [sflag:s8], $0x0  }
0x24: {  	s3 =	sadd.s32 $0x88, s3;
	s6 =	simm.s32 @!p1 $0x1082;
	[sflag:s4] =	ssyncset.s32 $0xFFFFF086  }
0x25: {  	[simem:s6], [sflag:s4] =	dma.local [hbm:s3], $0xF7A  }
0x26: {  	[smem:$0x3F9D] =	sst s1;
	(tag) =	ssettag s2;
	_ =	strace s9  }
0x27: {  	s1 =	sld [smem:$0x3FAD]  }
0x28: {  	s2 =	sld [smem:$0x3FAE]  }
0x29: {  	s4 =	sld [smem:$0x3FB0]  }
0x2a: {  	p0 =	seq.s32 s5, $0x0;
	s5 =	sld [smem:$0x3FB1]  }
0x2b: {  	s6 =	sld [smem:$0x3FB2]  }
0x2c: {  	s7 =	sld [smem:$0x3FB3]  }
0x2d: {  	s3 =	simm.s32 $0x108;
	s8 =	sld [smem:$0x3FB4]  }
0x2e: {  	s3 =	simm.s32 @!p0 $0x1082;
	s9 =	sld [smem:$0x3FB5]  }
0x2f: {  	lr =	sadd.s32 s0, s3;
	s0 =	sld [smem:$0x3FAC]  }
0x30: {  	s3 =	sld [smem:$0x3FAF]  }
0x31: {  	[smem:$0x3FB8] =	sst s10  }
0x32: {  	s10 =	sld [smem:$0x3FB6];
	_ =	sdelay $0x3  }
0x33: {  	p0 =	seq.s32 s10, $0x1;
	s10 =	sld [smem:$0x3FB8];
	_ =	sdelay $0x3  }
0x34: {  	[smem:$0x3FB8] =	sst s10  }
0x35: {  	s10 =	sld [smem:$0x3FB7];
	_ =	sdelay $0x3  }
0x36: {  	p1 =	seq.s32 s10, $0x1;
	s10 =	sld [smem:$0x3FB8];
	_ =	sdelay $0x3  }
0x37: {  	[smem:$0x3FB8] =	sst s10  }
0x38: {  	s10 =	sld [smem:$0x3FB9]  }
0x39: {  	_ = 	snop;
	(pc) =	sbr.ind lr, $3  }
0x3a: {  	_ = 	snop  }
0x3b: {  	_ = 	snop  }
0x3c: {  	p2 =	seq.s32 s10, $0x1;
	s10 =	sld [smem:$0x3FB8]  }
0x3d: {  	_ =	shalt  }
0x3e: {  	_ =	shalt  }
0x3f: {  	_ =	shalt  }
0x40: {  	_ =	shalt  }
0x41: {  	_ =	shalt  }
0x42: {  	_ =	shalt  }
0x43: {  	_ =	shalt  }
0x44: {  	_ =	shalt  }
0x45: {  	_ =	shalt  }
0x46: {  	_ =	shalt  }
0x47: {  	_ =	shalt  }
0x48: {  	_ =	shalt  }
0x49: {  	_ =	shalt  }
0x4a: {  	_ =	shalt  }
0x4b: {  	_ =	shalt  }
0x4c: {  	_ =	shalt  }
0x4d: {  	_ =	shalt  }
0x4e: {  	_ =	shalt  }
0x4f: {  	_ =	shalt  }
0x50: {  	_ =	shalt  }
0x51: {  	_ =	shalt  }
0x52: {  	_ =	shalt  }
0x53: {  	_ =	shalt  }
0x54: {  	_ =	shalt  }
0x55: {  	_ =	shalt  }
0x56: {  	_ =	shalt  }
0x57: {  	_ =	shalt  }
0x58: {  	_ =	shalt  }
0x59: {  	_ =	shalt  }
0x5a: {  	_ =	shalt  }
0x5b: {  	_ =	shalt  }
0x5c: {  	_ =	shalt  }
0x5d: {  	_ =	shalt  }
0x5e: {  	_ =	shalt  }
0x5f: {  	_ =	shalt  }
0x60: {  	_ =	shalt  }
0x61: {  	_ =	shalt  }
0x62: {  	_ =	shalt  }
0x63: {  	_ =	shalt  }
0x64: {  	_ =	shalt  }
0x65: {  	_ =	shalt  }
0x66: {  	_ =	shalt  }
0x67: {  	_ =	shalt  }
0x68: {  	_ =	shalt  }
0x69: {  	_ =	shalt  }
0x6a: {  	_ =	shalt  }
0x6b: {  	_ =	shalt  }
0x6c: {  	_ =	shalt  }
0x6d: {  	_ =	shalt  }
0x6e: {  	_ =	shalt  }
0x6f: {  	_ =	shalt  }
0x70: {  	_ =	shalt  }
0x71: {  	_ =	shalt  }
0x72: {  	_ =	shalt  }
0x73: {  	_ =	shalt  }
0x74: {  	_ =	shalt  }
0x75: {  	_ =	shalt  }
0x76: {  	_ =	shalt  }
0x77: {  	_ =	shalt  }
0x78: {  	_ =	shalt  }
0x79: {  	_ =	shalt  }
0x7a: {  	_ =	shalt  }
0x7b: {  	_ =	shalt  }
0x7c: {  	_ =	shalt  }
0x7d: {  	_ =	shalt  }
0x7e: {  	_ =	shalt  }
0x7f: {  	_ =	shalt  }
0x80: {  	_ =	shalt  }
0x81: {  	_ =	shalt  }
0x82: {  	_ =	shalt  }
0x83: {  	_ =	shalt  }
0x84: {  	_ =	shalt  }
0x85: {  	_ =	shalt  }
0x86: {  	_ =	shalt  }
0x87: {  	_ =	shalt  }
.Lfunc_end0:
.L_simem_size_0:
called_computation_lowered:
.L_overlay_start_0:
0x88: {  	s2 =	sld [smem:$0x3FD9]  }
0x89: {  	s3 =	sld [smem:$0x3FFE];
	_ =	sdelay $0x1  }
0x8a: {  	s1 =	srdreg.scid  }
0x8b: {  	s0 =	sand.u32 $0x1, s1  }
0x8c: {  	s15 =	sshll.u32 s0, $0xA;
	s2 =	sadd.s32 s3, s2  }
0x8d: {  	s2 =	sadd.s32 s2, s15  }
0x8e: {  	[smem:$0x3FC4] =	sst s2  }
0x8f: {  	_ = 	snop  }
0x90: {  	s2 =	sld [smem:$0x3FC9]  }
0x91: {  	s16 =	sld [smem:$0x3FD0]  }
0x92: {  	s4 =	sld [smem:$0x3FC8]  }
0x93: {  	s5 =	sld [smem:$0x3FC7]  }
0x94: {  	s7 =	simm.s32 $0xA;
	s8 =	simm.s32 $0x10;
	s6 =	sld [smem:$0x3FC6]  }
0x95: {  	[smem:s8], [sflag:s7] =	dma.local [hbm:s16], $0x1  }
0x96: {  	_ =	swait.eq [sflag:s7], $0x1  }
0x97: {  	s17 =	sld [smem:$0x10];
	[sflag:s7] =	ssyncset.done $0x0  }
0x98: {  	s18 =	sld [smem:$0x11];
	[sflag:s7] =	ssyncadd.s32 $0xFFFFFFFF  }
0x99: {  	s19 =	sld [smem:$0x12];
	(tm) =	ssettm $0x1  }
0x9a: {  	s9 =	sld [smem:$0x3FFB];
	_ =	sdelay $0x3  }
0x9b: {  	_ =	strace s9  }
0x9c: {  	s9 =	sld [smem:$0x3FFC];
	_ =	sdelay $0x3  }
0x9d: {  	_ =	strace s9  }
0x9e: {  	s9 =	sld [smem:$0x3FFD];
	_ =	sdelay $0x3  }
0x9f: {  	_ =	strace s9  }
0xa0: {  	_ =	strace $0x8FFFFFFF  }
0xa1: {  	s20 =	sld [smem:$0x3FDB];
	_ =	sdelay $0x1  }
0xa2: {  	s10 =	simm.s32 $_scs_section_size  }
0xa3: {  	s11 =	simm.s32 $_size__tile_overlayer_lowered;
	s12 =	simm.s32 $_tile_overlayer_lowered  }
0xa4: {  	s23 =	simm.s32 $0x1BFF;
	s22 =	sshll.u32 s12, $0x1;
	s9 =	sadd.s32 s10, s20  }
0xa5: {  	s13 =	simm.s32 $0x0;
	s21 =	sshll.u32 s11, $0x1;
	s11 =	sadd.s32 s22, s9  }
0xa6: {  	[timem:s13], [sflag:s23] =	dma.local [hbm:s11], s21  }
0xa7: {  	_ =	swait.ge [sflag:s23], s21  }
0xa8: {  	s10 =	ssub.s32 $0x0, s21;
	[sflag:s23] =	ssyncset.done $0x0  }
0xa9: {  	[sflag:s23] =	ssyncadd.s32 s10;
	_ =	sdelay $0x1  }
0xaa: {  	s24 =	simm.s32 $0x1B8B  }
0xab: {  	_ =	swait.ge [sflag:s24], $0x1  }
0xac: {  	[sflag:s24] =	ssyncset.done $0x0  }
0xad: {  	s25 =	simm.s32 $0x1B8E;
	[sflag:s24] =	ssyncadd.s32 $0xFFFFFFFF  }
0xae: {  	s26 =	simm.s32 $execute0_lowered;
	[smem:$0x3FD2] =	sst s25  }
0xaf: {  	s10 =	sshll.u32 s26, $0x1;
	_ =	strace $0x80000046;
	[dreg:$0x1] =	wrdreg $0xFFFFFFFF  }
0xb0: {  	s28 =	simm.s32 $_size_execute0_lowered;
	s9 =	sadd.s32 s9, s10;
	[dreg:$0x0] =	wrdreg $0x0  }
0xb1: {  	s10 =	sshll.u32 s28, $0x1;
	[dreg:$0x2] =	wrdreg s9  }
0xb2: {  	[dreg:$0x3] =	wrdreg s10  }
0xb3: {  	[dreg:$0x4] =	wrdreg $0xC0  }
0xb4: {  	_ =	task [dreg:s13], $0x5FFFF  }
0xb5: {  	[dreg:$0x1] =	wrdreg $0xFFFFFFFF  }
0xb6: {  	[dreg:$0x0] =	wrdreg $0x60  }
0xb7: {  	[dreg:$0x2] =	wrdreg s2  }
0xb8: {  	[dreg:$0x3] =	wrdreg s4  }
0xb9: {  	[dreg:$0x4] =	wrdreg s5  }
0xba: {  	[dreg:$0x5] =	wrdreg s6  }
0xbb: {  	[dreg:$0x6] =	wrdreg s19  }
0xbc: {  	[dreg:$0x7] =	wrdreg s17  }
0xbd: {  	[dreg:$0x8] =	wrdreg s18  }
0xbe: {  	[dreg:$0x9] =	wrdreg $0x9  }
0xbf: {  	_ =	task.clear_ibuf [dreg:s13], $0xAFFFF;
	_ =	strace $0x90000046  }
0xc0: {  	s29 =	simm.s32 $0x9;
	_ =	strace $0x80000048  }
0xc1: {  	_ =	swait.ge [sflag:s29], $0x1  }
0xc2: {  	[sflag:s29] =	ssyncadd.s32 $0xFFFFFFFF  }
0xc3: {  	_ =	strace $0x90000048  }
0xc4: {  	_ =	sfence  }
0xc5: {  	s30 =	sld [smem:$0x0];
	_ =	sdelay $0x2  }
0xc6: {  	s31 =	sshll.u32 s1, $0xD;
	s1 =	sshrl.u32 s1, $0x2  }
0xc7: {  	s3 =	sand.u32 $0x4000, s31;
	s1 =	sadd.s32 s1, s30  }
0xc8: {  	s0 =	sor.u32 s3, s0;
	s1 =	sshll.u32 s1, $0x11  }
0xc9: {  	s0 =	sor.u32 s1, s0  }
0xca: {  	s0 =	sadd.s32 $0x8F2B, s0  }
0xcb: {  	[sflag:s0] =	ssyncadd.remote.s32 $0x1  }
0xcc: {  	_ =	sfence.sel $0xFFFF  }
0xcd: {  	[dreg:$0x0] =	wrdreg $0xFFFFFFFF;
	(pc) =	sbr.abs _section_cstart, $3  }
0xce: {  	[dreg:$0x1] =	wrdreg $0xFFFFFFFF  }
0xcf: {  	_ =	task.clear_ibuf [dreg:s13], $0x2FFFF;
	_ =	strace $0x9FFFFFFF  }
0xd0: {  	(tm) =	ssettm $0x7FFFFFFF  }
0xd1: {  	_ =	shalt  }
tec
execute0_lowered:
.L_overlay_start_1:
0x0: {  	(tag) =	ssettag $0x1  }
0x1: {  	s1 =	rddreg [dreg:$0x0]  }
0x2: {  	s0 =	rddreg [dreg:$0x1]  }
0x3: {  	s21 =	rddreg [dreg:$0x2]  }
0x4: {  	s2 =	rddreg [dreg:$0x4]  }
0x5: {  	s3 =	rddreg [dreg:$0x5]  }
0x6: {  	s22 =	rddreg [dreg:$0x6]  }
0x7: {  	[dreg:$0x8] =	wrdreg s0  }
0x8: {  	s23 =	srdreg.scid;
	[dreg:$0x9] =	wrdreg s21  }
0x9: {  	s6 =	stileid.u32;
	p1 =	por $0x0, $0x0;
	s0 =	rddreg [dreg:$0x3]  }
0xa: {  	s28 =	simm.s32 $0x9;
	s29 =	simm.s32 $0x4;
	[dreg:$0xa] =	wrdreg s3  }
0xb: {  	[dreg:$0xb] =	wrdreg s22;
	s4 =	sand.u32 $0x1, s23;
	s5 =	sshll.u32 s6, $0x1  }
0xc: {  	s3 =	simm.s32 $0x0;
	s24 =	sshll.u32 s6, $0x2;
	s9 =	sor.u32 s4, s5  }
0xd: {  	[smem:$0x7FF] =	sst s3;
	s5 =	sand.u32 $0x30, s24;
	s26 =	sshll.u32 s9, $0xF  }
0xe: {  	s25 =	sshll.u32 s9, $0x7;
	_ =	strace $0x80000047;
	s8 =	sadd.s32 s2, s26  }
0xf: {  	s6 =	sand.u32 $0x380, s25;
	s25 =	simm.s32 $0x80;
	[dreg:$0x1e] =	wrdreg s8  }
0x10: {  	s1 =	sadd.s32 s1, s5;
	s26 =	simm.s32 $0x200;
	[dreg:$0x1c] =	wrdreg s25  }
0x11: {  	s30 =	simm.s32 $0xA;
	s1 =	sadd.s32 s6, s1;
	[dreg:$0x1d] =	wrdreg s26  }
0x12: {  	s31 =	simm.s32 $0x16900;
	s7 =	sadd.s32 $0x800, s8;
	[dreg:$0xc] =	wrdreg s1  }
0x13: {  	s17 =	ssub.s32 $0x2, s4;
	s10 =	sadd.s32 $0x1000, s8;
	[dreg:$0xd] =	wrdreg s7  }
0x14: {  	s4 =	sshrl.u32 s17, $0x1;
	s11 =	sadd.s32 $0x1800, s8;
	[dreg:$0xe] =	wrdreg s10  }
0x15: {  	s5 =	sadd.s32 $0x100, s0;
	s12 =	sadd.s32 $0x2000, s8;
	[dreg:$0xf] =	wrdreg s11  }
0x16: {  	p0 =	seq.s32 s9, $0x1;
	s13 =	sadd.s32 $0x2800, s8;
	[dreg:$0x10] =	wrdreg s12  }
0x17: {  	p4 =	sne.s32 s9, $0x0;
	s14 =	sadd.s32 $0x3000, s8;
	[dreg:$0x11] =	wrdreg s13  }
0x18: {  	s2 =	ssub.s32 s17, s4;
	s15 =	sadd.s32 $0x3800, s8;
	[dreg:$0x12] =	wrdreg s14  }
0x19: {  	p3 =	sne.s32 @!p0 s9, $0x0;
	s16 =	sadd.s32 $0x4000, s8;
	[dreg:$0x13] =	wrdreg s15  }
0x1a: {  	s18 =	sadd.s32 $0x4800, s8;
	s19 =	sadd.s32 $0x5000, s8;
	[dreg:$0x14] =	wrdreg s16  }
0x1b: {  	s20 =	sadd.s32 $0x5800, s8;
	s21 =	sadd.s32 $0x6000, s8;
	[dreg:$0x15] =	wrdreg s18  }
0x1c: {  	s6 =	sadd.s32 $0x200, s0;
	s22 =	sadd.s32 $0x6800, s8;
	[dreg:$0x16] =	wrdreg s19  }
0x1d: {  	s23 =	sadd.s32 $0x7000, s8;
	s24 =	sadd.s32 $0x7800, s8;
	[dreg:$0x17] =	wrdreg s20  }
0x1e: {  	s8 =	smax.u32 s2, $0x1;
	p2 =	por p3, p0;
	[dreg:$0x18] =	wrdreg s21  }
0x1f: {  	p3 =	por !p3, p0;
	s25 =	simm.s32 $0x3;
	[dreg:$0x19] =	wrdreg s22  }
0x20: {  	s26 =	simm.s32 $0x4100;
	s7 =	sadd.s32 $0x300, s0;
	[dreg:$0x1a] =	wrdreg s23  }
0x21: {  	v2 =	vlaneseq.u32;
	[dreg:$0x1b] =	wrdreg s24;
	s19 =	simm.s32 $0x1;
	s22 =	simm.s32 $0x7  }
0x22: {  	vm0 =	vmmov $0xffff;
	v1 =	vshrl.u32 v2, $0x3;
	s23 =	simm.s32 $0x2;
	s24 =	simm.s32 $0x8;
	s18 =	simm.s32 $0x100  }
0x23: {  	v0 =	vand.u32 $0x7, v2;
	v2 =	vor.u32 $0x8, v2;
	v1 =	vmul.u32 $0x8, v1;
	s21 =	simm.s32 $0xC100;
	s14 =	simm.s32 $0x13100;
	s20 =	simm.s32 $0x16100  }
.LBB2_1:
0x24: {  	s15 =	stileid.u32  }
0x25: {  	s11 =	rddreg [dreg:$0x9];
	s13 =	sshll.u32 @p0 s15, $0x6  }
0x26: {  	s12 =	rddreg [dreg:$0xb];
	s13 =	sor.u32 @p0 $0x1C0D, s13  }
0x27: {  	[hbm:s12], [sflag:s13] =	dma.local @p0 [hbm:s11], $0x400  }
0x28: {  	s13 =	sshll.u32 @!p2 s15, $0x6;
	s11 =	rddreg [dreg:$0x8]  }
0x29: {  	s12 =	rddreg [dreg:$0xa];
	s13 =	sor.u32 @!p2 $0x1C0D, s13  }
0x2a: {  	[hbm:s12], [sflag:s13] =	dma.local @!p2 [hbm:s11], $0x400  }
0x2b: {  	s11 =	rddreg [dreg:$0xc]  }
0x2c: {  	s12 =	rddreg [dreg:$0x1c]  }
0x2d: {  	s16 =	simm.s32 $0xE;
	s13 =	rddreg [dreg:$0x1d]  }
0x2e: {  	[tilespmem:s3], [sflag:$0xE] =	stream.strided.gather [hbm4b:s11+s12], $0x100, s13, s12, $0x38;
	[tilespmem:$0x18100] =	vst v63  }
0x2f: {  	_ =	swait.ge [sflag:s16], $0x100  }
0x30: {  	[sflag:s16] =	ssyncset.done $0x0  }
0x31: {  	[sflag:s16] =	ssyncadd.s32 $0xFFFFFF00  }
0x32: {  	v3 =	vld [tilespmem:$0x0];
	_ =	sdelay $0x4  }
0x33: {  	v4 =	vshll.u32 v3, $0x3  }
0x34: {  	v3 =	vand.u32 $0x7, v3;
	v4 =	vand.u32 $0xFFFFFFC0, v4  }
0x35: {  	v3 =	vor.u32 v3, v4  }
0x36: {  	v4 =	vperm.xlane v3, v0;
	_ =	sdelay $0x1  }
0x37: {  	v4 =	vadd.s32 v1, v4;
	_ =	sdelay $0x4  }
0x38: {  	[tilespmem:s18], [sflag:$0x1] =	stream.indirect_vreg.gather [hbm4b:s0+s3], $0x80, v4, vm0, $0xb8;
	[tilespmem:$0x18100] =	vst v63  }
0x39: {  	s1 =	simm.s32 $0x900;
	v3 =	vperm.xlane v3, v2  }
0x3a: {  	[tilespmem:s1], [sflag:$0x1] =	stream.indirect_vreg.gather [hbm4b:s5+s3], $0x80, v4, vm0, $0xb8;
	[tilespmem:$0x18100] =	vst v63  }
0x3b: {  	s17 =	simm.s32 $0x1100;
	v3 =	vadd.s32 v1, v3  }
0x3c: {  	[tilespmem:s17], [sflag:$0x1] =	stream.indirect_vreg.gather [hbm4b:s6+s3], $0x80, v4, vm0, $0xb8;
	[tilespmem:$0x18100] =	vst v63  }
0x3d: {  	s2 =	simm.s32 $0x1900  }
0x3e: {  	[tilespmem:s2], [sflag:$0x1] =	stream.indirect_vreg.gather [hbm4b:s7+s3], $0x80, v4, vm0, $0xb8;
	[tilespmem:$0x18100] =	vst v63  }
0x3f: {  	s4 =	simm.s32 $0x2100  }
0x40: {  	[tilespmem:s4], [sflag:$0x1] =	stream.indirect_vreg.gather [hbm4b:s0+s3], $0x80, v3, vm0, $0xb8;
	[tilespmem:$0x18100] =	vst v63  }
0x41: {  	s9 =	simm.s32 $0x2900  }
0x42: {  	[tilespmem:s9], [sflag:$0x1] =	stream.indirect_vreg.gather [hbm4b:s5+s3], $0x80, v3, vm0, $0xb8;
	[tilespmem:$0x18100] =	vst v63  }
0x43: {  	s10 =	simm.s32 $0x3100  }
0x44: {  	[tilespmem:s10], [sflag:$0x1] =	stream.indirect_vreg.gather [hbm4b:s6+s3], $0x80, v3, vm0, $0xb8;
	[tilespmem:$0x18100] =	vst v63  }
0x45: {  	s11 =	simm.s32 $0x3900  }
0x46: {  	[tilespmem:s11], [sflag:$0x1] =	stream.indirect_vreg.gather [hbm4b:s7+s3], $0x80, v3, vm0, $0xb8;
	[tilespmem:$0x18100] =	vst v63  }
0x47: {  	v3 =	vld [tilespmem:$0x10];
	_ =	sdelay $0x4  }
0x48: {  	v49 =	vshll.u32 v3, $0x3  }
0x49: {  	v3 =	vand.u32 $0x7, v3;
	v4 =	vand.u32 $0xFFFFFFC0, v49  }
0x4a: {  	v3 =	vor.u32 v3, v4  }
0x4b: {  	v4 =	vperm.xlane v3, v0;
	_ =	sdelay $0x1  }
0x4c: {  	v4 =	vadd.s32 v1, v4;
	_ =	sdelay $0x4  }
0x4d: {  	[tilespmem:s26], [sflag:$0x2] =	stream.indirect_vreg.gather [hbm4b:s0+s3], $0x80, v4, vm0, $0xb8;
	[tilespmem:$0x18100] =	vst v63  }
0x4e: {  	s12 =	simm.s32 $0x4900;
	v3 =	vperm.xlane v3, v2  }
0x4f: {  	[tilespmem:s12], [sflag:$0x2] =	stream.indirect_vreg.gather [hbm4b:s5+s3], $0x80, v4, vm0, $0xb8;
	[tilespmem:$0x18100] =	vst v63  }
0x50: {  	s13 =	simm.s32 $0x5100;
	v3 =	vadd.s32 v1, v3  }
0x51: {  	[tilespmem:s13], [sflag:$0x2] =	stream.indirect_vreg.gather [hbm4b:s6+s3], $0x80, v4, vm0, $0xb8;
	[tilespmem:$0x18100] =	vst v63  }
0x52: {  	s15 =	simm.s32 $0x5900  }
0x53: {  	[tilespmem:s15], [sflag:$0x2] =	stream.indirect_vreg.gather [hbm4b:s7+s3], $0x80, v4, vm0, $0xb8;
	[tilespmem:$0x18100] =	vst v63  }
0x54: {  	s2 =	simm.s32 $0x6100  }
0x55: {  	[tilespmem:s2], [sflag:$0x2] =	stream.indirect_vreg.gather [hbm4b:s0+s3], $0x80, v3, vm0, $0xb8;
	[tilespmem:$0x18100] =	vst v63  }
0x56: {  	s4 =	simm.s32 $0x6900  }
0x57: {  	[tilespmem:s4], [sflag:$0x2] =	stream.indirect_vreg.gather [hbm4b:s5+s3], $0x80, v3, vm0, $0xb8;
	[tilespmem:$0x18100] =	vst v63  }
0x58: {  	s9 =	simm.s32 $0x7100  }
0x59: {  	[tilespmem:s9], [sflag:$0x2] =	stream.indirect_vreg.gather [hbm4b:s6+s3], $0x80, v3, vm0, $0xb8;
	[tilespmem:$0x18100] =	vst v63  }
0x5a: {  	s10 =	simm.s32 $0x7900  }
0x5b: {  	[tilespmem:s10], [sflag:$0x2] =	stream.indirect_vreg.gather [hbm4b:s7+s3], $0x80, v3, vm0, $0xb8;
	[tilespmem:$0x18100] =	vst v63  }
0x5c: {  	v3 =	vld [tilespmem:$0x20];
	_ =	sdelay $0x4  }
0x5d: {  	v50 =	vshll.u32 v3, $0x3  }
0x5e: {  	v3 =	vand.u32 $0x7, v3;
	v4 =	vand.u32 $0xFFFFFFC0, v50  }
0x5f: {  	v3 =	vor.u32 v3, v4  }
0x60: {  	v4 =	vperm.xlane v3, v0;
	_ =	sdelay $0x1  }
0x61: {  	v4 =	vadd.s32 v1, v4;
	_ =	sdelay $0x3  }
0x62: {  	s1 =	simm.s32 $0x8100  }
0x63: {  	[tilespmem:s1], [sflag:$0x3] =	stream.indirect_vreg.gather [hbm4b:s0+s3], $0x80, v4, vm0, $0xb8;
	[tilespmem:$0x18100] =	vst v63  }
0x64: {  	s2 =	simm.s32 $0x8900;
	v3 =	vperm.xlane v3, v2  }
0x65: {  	[tilespmem:s2], [sflag:$0x3] =	stream.indirect_vreg.gather [hbm4b:s5+s3], $0x80, v4, vm0, $0xb8;
	[tilespmem:$0x18100] =	vst v63  }
0x66: {  	s11 =	simm.s32 $0x9100;
	v3 =	vadd.s32 v1, v3  }
0x67: {  	[tilespmem:s11], [sflag:$0x3] =	stream.indirect_vreg.gather [hbm4b:s6+s3], $0x80, v4, vm0, $0xb8;
	[tilespmem:$0x18100] =	vst v63  }
0x68: {  	s12 =	simm.s32 $0x9900  }
0x69: {  	[tilespmem:s12], [sflag:$0x3] =	stream.indirect_vreg.gather [hbm4b:s7+s3], $0x80, v4, vm0, $0xb8;
	[tilespmem:$0x18100] =	vst v63  }
0x6a: {  	s13 =	simm.s32 $0xA100  }
0x6b: {  	[tilespmem:s13], [sflag:$0x3] =	stream.indirect_vreg.gather [hbm4b:s0+s3], $0x80, v3, vm0, $0xb8;
	[tilespmem:$0x18100] =	vst v63  }
0x6c: {  	s15 =	simm.s32 $0xA900  }
0x6d: {  	[tilespmem:s15], [sflag:$0x3] =	stream.indirect_vreg.gather [hbm4b:s5+s3], $0x80, v3, vm0, $0xb8;
	[tilespmem:$0x18100] =	vst v63  }
0x6e: {  	s4 =	simm.s32 $0xB100  }
0x6f: {  	[tilespmem:s4], [sflag:$0x3] =	stream.indirect_vreg.gather [hbm4b:s6+s3], $0x80, v3, vm0, $0xb8;
	[tilespmem:$0x18100] =	vst v63  }
0x70: {  	s9 =	simm.s32 $0xB900  }
0x71: {  	[tilespmem:s9], [sflag:$0x3] =	stream.indirect_vreg.gather [hbm4b:s7+s3], $0x80, v3, vm0, $0xb8;
	[tilespmem:$0x18100] =	vst v63  }
0x72: {  	v3 =	vld [tilespmem:$0x30];
	_ =	sdelay $0x4  }
0x73: {  	v51 =	vshll.u32 v3, $0x3  }
0x74: {  	v3 =	vand.u32 $0x7, v3;
	v4 =	vand.u32 $0xFFFFFFC0, v51  }
0x75: {  	v3 =	vor.u32 v3, v4  }
0x76: {  	v4 =	vperm.xlane v3, v0;
	_ =	sdelay $0x1  }
0x77: {  	v4 =	vadd.s32 v1, v4;
	_ =	sdelay $0x4  }
0x78: {  	[tilespmem:s21], [sflag:$0x4] =	stream.indirect_vreg.gather [hbm4b:s0+s3], $0x80, v4, vm0, $0xb8;
	[tilespmem:$0x18100] =	vst v63  }
0x79: {  	s10 =	simm.s32 $0xC900;
	v3 =	vperm.xlane v3, v2  }
0x7a: {  	[tilespmem:s10], [sflag:$0x4] =	stream.indirect_vreg.gather [hbm4b:s5+s3], $0x80, v4, vm0, $0xb8;
	[tilespmem:$0x18100] =	vst v63  }
0x7b: {  	s11 =	simm.s32 $0xD100;
	v3 =	vadd.s32 v1, v3  }
0x7c: {  	[tilespmem:s11], [sflag:$0x4] =	stream.indirect_vreg.gather [hbm4b:s6+s3], $0x80, v4, vm0, $0xb8;
	[tilespmem:$0x18100] =	vst v63  }
0x7d: {  	s12 =	simm.s32 $0xD900  }
0x7e: {  	[tilespmem:s12], [sflag:$0x4] =	stream.indirect_vreg.gather [hbm4b:s7+s3], $0x80, v4, vm0, $0xb8;
	[tilespmem:$0x18100] =	vst v63  }
0x7f: {  	s13 =	simm.s32 $0xE100  }
0x80: {  	[tilespmem:s13], [sflag:$0x4] =	stream.indirect_vreg.gather [hbm4b:s0+s3], $0x80, v3, vm0, $0xb8;
	[tilespmem:$0x18100] =	vst v63  }
0x81: {  	s15 =	simm.s32 $0xE900  }
0x82: {  	[tilespmem:s15], [sflag:$0x4] =	stream.indirect_vreg.gather [hbm4b:s5+s3], $0x80, v3, vm0, $0xb8;
	[tilespmem:$0x18100] =	vst v63  }
0x83: {  	s4 =	simm.s32 $0xF100  }
0x84: {  	[tilespmem:s4], [sflag:$0x4] =	stream.indirect_vreg.gather [hbm4b:s6+s3], $0x80, v3, vm0, $0xb8;
	[tilespmem:$0x18100] =	vst v63  }
0x85: {  	s9 =	simm.s32 $0xF900  }
0x86: {  	[tilespmem:s9], [sflag:$0x4] =	stream.indirect_vreg.gather [hbm4b:s7+s3], $0x80, v3, vm0, $0xb8;
	[tilespmem:$0x18100] =	vst v63  }
0x87: {  	v3 =	vld [tilespmem:$0x40];
	_ =	sdelay $0x4  }
0x88: {  	v52 =	vshll.u32 v3, $0x3  }
0x89: {  	v3 =	vand.u32 $0x7, v3;
	v4 =	vand.u32 $0xFFFFFFC0, v52  }
0x8a: {  	v3 =	vor.u32 v3, v4  }
0x8b: {  	v4 =	vperm.xlane v3, v0;
	_ =	sdelay $0x1  }
0x8c: {  	v4 =	vadd.s32 v1, v4;
	_ =	sdelay $0x3  }
0x8d: {  	s10 =	simm.s32 $0x10100  }
0x8e: {  	[tilespmem:s10], [sflag:$0x5] =	stream.indirect_vreg.gather [hbm4b:s0+s3], $0x80, v4, vm0, $0xb8;
	[tilespmem:$0x18100] =	vst v63  }
0x8f: {  	s4 =	simm.s32 $0x10900;
	v3 =	vperm.xlane v3, v2  }
0x90: {  	[tilespmem:s4], [sflag:$0x5] =	stream.indirect_vreg.gather [hbm4b:s5+s3], $0x80, v4, vm0, $0xb8;
	[tilespmem:$0x18100] =	vst v63  }
0x91: {  	s9 =	simm.s32 $0x11100;
	v3 =	vadd.s32 v1, v3  }
0x92: {  	[tilespmem:s9], [sflag:$0x5] =	stream.indirect_vreg.gather [hbm4b:s6+s3], $0x80, v4, vm0, $0xb8;
	[tilespmem:$0x18100] =	vst v63  }
0x93: {  	s10 =	simm.s32 $0x11900  }
0x94: {  	[tilespmem:s10], [sflag:$0x5] =	stream.indirect_vreg.gather [hbm4b:s7+s3], $0x80, v4, vm0, $0xb8;
	[tilespmem:$0x18100] =	vst v63  }
0x95: {  	s12 =	simm.s32 $0x12100  }
0x96: {  	[tilespmem:s12], [sflag:$0x5] =	stream.indirect_vreg.gather [hbm4b:s0+s3], $0x80, v3, vm0, $0xb8;
	[tilespmem:$0x18100] =	vst v63  }
0x97: {  	s13 =	simm.s32 $0x12900  }
0x98: {  	[tilespmem:s13], [sflag:$0x5] =	stream.indirect_vreg.gather [hbm4b:s5+s3], $0x80, v3, vm0, $0xb8;
	[tilespmem:$0x18100] =	vst v63  }
0x99: {  	_ = 	snop  }
0x9a: {  	[tilespmem:s14], [sflag:$0x5] =	stream.indirect_vreg.gather [hbm4b:s6+s3], $0x80, v3, vm0, $0xb8;
	[tilespmem:$0x18100] =	vst v63  }
0x9b: {  	s15 =	simm.s32 $0x13900  }
0x9c: {  	[tilespmem:s15], [sflag:$0x5] =	stream.indirect_vreg.gather [hbm4b:s7+s3], $0x80, v3, vm0, $0xb8;
	[tilespmem:$0x18100] =	vst v63  }
0x9d: {  	v3 =	vld [tilespmem:$0x50];
	_ =	sdelay $0x4  }
0x9e: {  	v53 =	vshll.u32 v3, $0x3  }
0x9f: {  	v3 =	vand.u32 $0x7, v3;
	v4 =	vand.u32 $0xFFFFFFC0, v53  }
0xa0: {  	v3 =	vor.u32 v3, v4  }
0xa1: {  	v4 =	vperm.xlane v3, v0;
	_ =	sdelay $0x1  }
0xa2: {  	v4 =	vadd.s32 v1, v4;
	_ =	sdelay $0x3  }
0xa3: {  	s11 =	simm.s32 $0x14100  }
0xa4: {  	[tilespmem:s11], [sflag:$0x6] =	stream.indirect_vreg.gather [hbm4b:s0+s3], $0x80, v4, vm0, $0xb8;
	[tilespmem:$0x18100] =	vst v63  }
0xa5: {  	v3 =	vperm.xlane v3, v2;
	s11 =	simm.s32 $0x14900  }
0xa6: {  	[tilespmem:s11], [sflag:$0x6] =	stream.indirect_vreg.gather [hbm4b:s5+s3], $0x80, v4, vm0, $0xb8;
	[tilespmem:$0x18100] =	vst v63  }
0xa7: {  	v3 =	vadd.s32 v1, v3;
	s11 =	simm.s32 $0x15100  }
0xa8: {  	[tilespmem:s11], [sflag:$0x6] =	stream.indirect_vreg.gather [hbm4b:s6+s3], $0x80, v4, vm0, $0xb8;
	[tilespmem:$0x18100] =	vst v63  }
0xa9: {  	s11 =	simm.s32 $0x15900  }
0xaa: {  	[tilespmem:s11], [sflag:$0x6] =	stream.indirect_vreg.gather [hbm4b:s7+s3], $0x80, v4, vm0, $0xb8;
	[tilespmem:$0x18100] =	vst v63  }
0xab: {  	_ = 	snop  }
0xac: {  	[tilespmem:s20], [sflag:$0x6] =	stream.indirect_vreg.gather [hbm4b:s0+s3], $0x80, v3, vm0, $0xb8;
	[tilespmem:$0x18100] =	vst v63  }
0xad: {  	_ = 	snop  }
0xae: {  	[tilespmem:s31], [sflag:$0x6] =	stream.indirect_vreg.gather [hbm4b:s5+s3], $0x80, v3, vm0, $0xb8;
	[tilespmem:$0x18100] =	vst v63  }
0xaf: {  	s11 =	simm.s32 $0x17100  }
0xb0: {  	[tilespmem:s11], [sflag:$0x6] =	stream.indirect_vreg.gather [hbm4b:s6+s3], $0x80, v3, vm0, $0xb8;
	[tilespmem:$0x18100] =	vst v63  }
0xb1: {  	s11 =	simm.s32 $0x17900  }
0xb2: {  	[tilespmem:s11], [sflag:$0x6] =	stream.indirect_vreg.gather [hbm4b:s7+s3], $0x80, v3, vm0, $0xb8;
	[tilespmem:$0x18100] =	vst v63  }
0xb3: {  	_ =	swait.ge [sflag:s19], $0x4000  }
0xb4: {  	[sflag:s19] =	ssyncset.done $0x0  }
0xb5: {  	s2 =	rddreg [dreg:$0x1e];
	[sflag:s19] =	ssyncadd.s32 $0xFFFFC000  }
0xb6: {  	[hbm4b:s2+s3] =	stream.linear.scatter [tilespmem:s18], [sflag:$0x7], $0x4000, $0x38;
	[tilespmem:$0x18100] =	vst v63  }
0xb7: {  	_ =	swait.ge [sflag:s22], $0x4000  }
0xb8: {  	[sflag:s22] =	ssyncset.done $0x0  }
0xb9: {  	[sflag:s22] =	ssyncadd.s32 $0xFFFFC000  }
0xba: {  	v3 =	vld [tilespmem:$0x60];
	_ =	sdelay $0x4  }
0xbb: {  	v54 =	vshll.u32 v3, $0x3  }
0xbc: {  	v3 =	vand.u32 $0x7, v3;
	v4 =	vand.u32 $0xFFFFFFC0, v54  }
0xbd: {  	v3 =	vor.u32 v3, v4  }
0xbe: {  	v4 =	vperm.xlane v3, v0;
	_ =	sdelay $0x1  }
0xbf: {  	v4 =	vadd.s32 v1, v4;
	_ =	sdelay $0x4  }
0xc0: {  	[tilespmem:s18], [sflag:$0x1] =	stream.indirect_vreg.gather [hbm4b:s0+s3], $0x80, v4, vm0, $0xb8;
	[tilespmem:$0x18100] =	vst v63  }
0xc1: {  	s16 =	simm.s32 $0x900;
	v3 =	vperm.xlane v3, v2  }
0xc2: {  	[tilespmem:s16], [sflag:$0x1] =	stream.indirect_vreg.gather [hbm4b:s5+s3], $0x80, v4, vm0, $0xb8;
	[tilespmem:$0x18100] =	vst v63  }
0xc3: {  	v3 =	vadd.s32 v1, v3;
	s16 =	simm.s32 $0x1100  }
0xc4: {  	[tilespmem:s16], [sflag:$0x1] =	stream.indirect_vreg.gather [hbm4b:s6+s3], $0x80, v4, vm0, $0xb8;
	[tilespmem:$0x18100] =	vst v63  }
0xc5: {  	s11 =	simm.s32 $0x1900  }
0xc6: {  	[tilespmem:s11], [sflag:$0x1] =	stream.indirect_vreg.gather [hbm4b:s7+s3], $0x80, v4, vm0, $0xb8;
	[tilespmem:$0x18100] =	vst v63  }
0xc7: {  	s16 =	simm.s32 $0x2100  }
0xc8: {  	[tilespmem:s16], [sflag:$0x1] =	stream.indirect_vreg.gather [hbm4b:s0+s3], $0x80, v3, vm0, $0xb8;
	[tilespmem:$0x18100] =	vst v63  }
0xc9: {  	s11 =	simm.s32 $0x2900  }
0xca: {  	[tilespmem:s11], [sflag:$0x1] =	stream.indirect_vreg.gather [hbm4b:s5+s3], $0x80, v3, vm0, $0xb8;
	[tilespmem:$0x18100] =	vst v63  }
0xcb: {  	s16 =	simm.s32 $0x3100  }
0xcc: {  	[tilespmem:s16], [sflag:$0x1] =	stream.indirect_vreg.gather [hbm4b:s6+s3], $0x80, v3, vm0, $0xb8;
	[tilespmem:$0x18100] =	vst v63  }
0xcd: {  	s17 =	simm.s32 $0x3900  }
0xce: {  	[tilespmem:s17], [sflag:$0x1] =	stream.indirect_vreg.gather [hbm4b:s7+s3], $0x80, v3, vm0, $0xb8;
	[tilespmem:$0x18100] =	vst v63  }
0xcf: {  	_ =	swait.ge [sflag:s23], $0x4000  }
0xd0: {  	[sflag:s23] =	ssyncset.done $0x0  }
0xd1: {  	s2 =	rddreg [dreg:$0xd];
	[sflag:s23] =	ssyncadd.s32 $0xFFFFC000  }
0xd2: {  	[hbm4b:s2+s3] =	stream.linear.scatter [tilespmem:s26], [sflag:$0x8], $0x4000, $0x38;
	[tilespmem:$0x18100] =	vst v63  }
0xd3: {  	_ =	swait.ge [sflag:s24], $0x4000  }
0xd4: {  	[sflag:s24] =	ssyncset.done $0x0  }
0xd5: {  	[sflag:s24] =	ssyncadd.s32 $0xFFFFC000  }
0xd6: {  	v3 =	vld [tilespmem:$0x70];
	_ =	sdelay $0x4  }
0xd7: {  	v55 =	vshll.u32 v3, $0x3  }
0xd8: {  	v3 =	vand.u32 $0x7, v3;
	v4 =	vand.u32 $0xFFFFFFC0, v55  }
0xd9: {  	v3 =	vor.u32 v3, v4  }
0xda: {  	v4 =	vperm.xlane v3, v0;
	_ =	sdelay $0x1  }
0xdb: {  	v4 =	vadd.s32 v1, v4;
	_ =	sdelay $0x4  }
0xdc: {  	[tilespmem:s26], [sflag:$0x2] =	stream.indirect_vreg.gather [hbm4b:s0+s3], $0x80, v4, vm0, $0xb8;
	[tilespmem:$0x18100] =	vst v63  }
0xdd: {  	s11 =	simm.s32 $0x4900;
	v3 =	vperm.xlane v3, v2  }
0xde: {  	[tilespmem:s11], [sflag:$0x2] =	stream.indirect_vreg.gather [hbm4b:s5+s3], $0x80, v4, vm0, $0xb8;
	[tilespmem:$0x18100] =	vst v63  }
0xdf: {  	s16 =	simm.s32 $0x5100;
	v3 =	vadd.s32 v1, v3  }
0xe0: {  	[tilespmem:s16], [sflag:$0x2] =	stream.indirect_vreg.gather [hbm4b:s6+s3], $0x80, v4, vm0, $0xb8;
	[tilespmem:$0x18100] =	vst v63  }
0xe1: {  	s17 =	simm.s32 $0x5900  }
0xe2: {  	[tilespmem:s17], [sflag:$0x2] =	stream.indirect_vreg.gather [hbm4b:s7+s3], $0x80, v4, vm0, $0xb8;
	[tilespmem:$0x18100] =	vst v63  }
0xe3: {  	s11 =	simm.s32 $0x6100  }
0xe4: {  	[tilespmem:s11], [sflag:$0x2] =	stream.indirect_vreg.gather [hbm4b:s0+s3], $0x80, v3, vm0, $0xb8;
	[tilespmem:$0x18100] =	vst v63  }
0xe5: {  	s16 =	simm.s32 $0x6900  }
0xe6: {  	[tilespmem:s16], [sflag:$0x2] =	stream.indirect_vreg.gather [hbm4b:s5+s3], $0x80, v3, vm0, $0xb8;
	[tilespmem:$0x18100] =	vst v63  }
0xe7: {  	s17 =	simm.s32 $0x7100  }
0xe8: {  	[tilespmem:s17], [sflag:$0x2] =	stream.indirect_vreg.gather [hbm4b:s6+s3], $0x80, v3, vm0, $0xb8;
	[tilespmem:$0x18100] =	vst v63  }
0xe9: {  	s11 =	simm.s32 $0x7900  }
0xea: {  	[tilespmem:s11], [sflag:$0x2] =	stream.indirect_vreg.gather [hbm4b:s7+s3], $0x80, v3, vm0, $0xb8;
	[tilespmem:$0x18100] =	vst v63  }
0xeb: {  	_ =	swait.ge [sflag:s25], $0x4000  }
0xec: {  	[sflag:s25] =	ssyncset.done $0x0  }
0xed: {  	s16 =	rddreg [dreg:$0xe];
	[sflag:s25] =	ssyncadd.s32 $0xFFFFC000  }
0xee: {  	[hbm4b:s16+s3] =	stream.linear.scatter [tilespmem:s1], [sflag:$0x9], $0x4000, $0x38;
	[tilespmem:$0x18100] =	vst v63  }
0xef: {  	_ =	swait.ge [sflag:s28], $0x4000  }
0xf0: {  	[sflag:s28] =	ssyncset.done $0x0  }
0xf1: {  	[sflag:s28] =	ssyncadd.s32 $0xFFFFC000  }
0xf2: {  	v3 =	vld [tilespmem:$0x80];
	_ =	sdelay $0x4  }
0xf3: {  	v56 =	vshll.u32 v3, $0x3  }
0xf4: {  	v3 =	vand.u32 $0x7, v3;
	v4 =	vand.u32 $0xFFFFFFC0, v56  }
0xf5: {  	v3 =	vor.u32 v3, v4  }
0xf6: {  	v4 =	vperm.xlane v3, v0;
	_ =	sdelay $0x1  }
0xf7: {  	v4 =	vadd.s32 v1, v4;
	_ =	sdelay $0x4  }
0xf8: {  	[tilespmem:s1], [sflag:$0x3] =	stream.indirect_vreg.gather [hbm4b:s0+s3], $0x80, v4, vm0, $0xb8;
	[tilespmem:$0x18100] =	vst v63  }
0xf9: {  	s17 =	simm.s32 $0x8900;
	v3 =	vperm.xlane v3, v2  }
0xfa: {  	[tilespmem:s17], [sflag:$0x3] =	stream.indirect_vreg.gather [hbm4b:s5+s3], $0x80, v4, vm0, $0xb8;
	[tilespmem:$0x18100] =	vst v63  }
0xfb: {  	s11 =	simm.s32 $0x9100;
	v3 =	vadd.s32 v1, v3  }
0xfc: {  	[tilespmem:s11], [sflag:$0x3] =	stream.indirect_vreg.gather [hbm4b:s6+s3], $0x80, v4, vm0, $0xb8;
	[tilespmem:$0x18100] =	vst v63  }
0xfd: {  	s16 =	simm.s32 $0x9900  }
0xfe: {  	[tilespmem:s16], [sflag:$0x3] =	stream.indirect_vreg.gather [hbm4b:s7+s3], $0x80, v4, vm0, $0xb8;
	[tilespmem:$0x18100] =	vst v63  }
0xff: {  	s17 =	simm.s32 $0xA100  }
0x100: {  	[tilespmem:s17], [sflag:$0x3] =	stream.indirect_vreg.gather [hbm4b:s0+s3], $0x80, v3, vm0, $0xb8;
	[tilespmem:$0x18100] =	vst v63  }
0x101: {  	s11 =	simm.s32 $0xA900  }
0x102: {  	[tilespmem:s11], [sflag:$0x3] =	stream.indirect_vreg.gather [hbm4b:s5+s3], $0x80, v3, vm0, $0xb8;
	[tilespmem:$0x18100] =	vst v63  }
0x103: {  	s16 =	simm.s32 $0xB100  }
0x104: {  	[tilespmem:s16], [sflag:$0x3] =	stream.indirect_vreg.gather [hbm4b:s6+s3], $0x80, v3, vm0, $0xb8;
	[tilespmem:$0x18100] =	vst v63  }
0x105: {  	s17 =	simm.s32 $0xB900  }
0x106: {  	[tilespmem:s17], [sflag:$0x3] =	stream.indirect_vreg.gather [hbm4b:s7+s3], $0x80, v3, vm0, $0xb8;
	[tilespmem:$0x18100] =	vst v63  }
0x107: {  	_ =	swait.ge [sflag:s29], $0x4000  }
0x108: {  	[sflag:s29] =	ssyncset.done $0x0  }
0x109: {  	s2 =	rddreg [dreg:$0xf];
	[sflag:s29] =	ssyncadd.s32 $0xFFFFC000  }
0x10a: {  	[hbm4b:s2+s3] =	stream.linear.scatter [tilespmem:s21], [sflag:$0xA], $0x4000, $0x38;
	[tilespmem:$0x18100] =	vst v63  }
0x10b: {  	_ =	swait.ge [sflag:s30], $0x4000  }
0x10c: {  	[sflag:s30] =	ssyncset.done $0x0  }
0x10d: {  	[sflag:s30] =	ssyncadd.s32 $0xFFFFC000  }
0x10e: {  	v3 =	vld [tilespmem:$0x90];
	_ =	sdelay $0x4  }
0x10f: {  	v57 =	vshll.u32 v3, $0x3  }
0x110: {  	v3 =	vand.u32 $0x7, v3;
	v4 =	vand.u32 $0xFFFFFFC0, v57  }
0x111: {  	v3 =	vor.u32 v3, v4  }
0x112: {  	v4 =	vperm.xlane v3, v0;
	_ =	sdelay $0x1  }
0x113: {  	v4 =	vadd.s32 v1, v4;
	_ =	sdelay $0x4  }
0x114: {  	[tilespmem:s21], [sflag:$0x4] =	stream.indirect_vreg.gather [hbm4b:s0+s3], $0x80, v4, vm0, $0xb8;
	[tilespmem:$0x18100] =	vst v63  }
0x115: {  	s11 =	simm.s32 $0xC900;
	v3 =	vperm.xlane v3, v2  }
0x116: {  	[tilespmem:s11], [sflag:$0x4] =	stream.indirect_vreg.gather [hbm4b:s5+s3], $0x80, v4, vm0, $0xb8;
	[tilespmem:$0x18100] =	vst v63  }
0x117: {  	s16 =	simm.s32 $0xD100;
	v3 =	vadd.s32 v1, v3  }
0x118: {  	[tilespmem:s16], [sflag:$0x4] =	stream.indirect_vreg.gather [hbm4b:s6+s3], $0x80, v4, vm0, $0xb8;
	[tilespmem:$0x18100] =	vst v63  }
0x119: {  	s17 =	simm.s32 $0xD900  }
0x11a: {  	[tilespmem:s17], [sflag:$0x4] =	stream.indirect_vreg.gather [hbm4b:s7+s3], $0x80, v4, vm0, $0xb8;
	[tilespmem:$0x18100] =	vst v63  }
0x11b: {  	s11 =	simm.s32 $0xE100  }
0x11c: {  	[tilespmem:s11], [sflag:$0x4] =	stream.indirect_vreg.gather [hbm4b:s0+s3], $0x80, v3, vm0, $0xb8;
	[tilespmem:$0x18100] =	vst v63  }
0x11d: {  	s16 =	simm.s32 $0xE900  }
0x11e: {  	[tilespmem:s16], [sflag:$0x4] =	stream.indirect_vreg.gather [hbm4b:s5+s3], $0x80, v3, vm0, $0xb8;
	[tilespmem:$0x18100] =	vst v63  }
0x11f: {  	s17 =	simm.s32 $0xF100  }
0x120: {  	[tilespmem:s17], [sflag:$0x4] =	stream.indirect_vreg.gather [hbm4b:s6+s3], $0x80, v3, vm0, $0xb8;
	[tilespmem:$0x18100] =	vst v63  }
0x121: {  	s2 =	simm.s32 $0x5;
	s11 =	simm.s32 $0xF900  }
0x122: {  	[tilespmem:s11], [sflag:$0x4] =	stream.indirect_vreg.gather [hbm4b:s7+s3], $0x80, v3, vm0, $0xb8;
	[tilespmem:$0x18100] =	vst v63  }
0x123: {  	_ =	swait.ge [sflag:s2], $0x4000  }
0x124: {  	[sflag:s2] =	ssyncset.done $0x0  }
0x125: {  	s17 =	simm.s32 $0x10100;
	s16 =	rddreg [dreg:$0x10];
	[sflag:s2] =	ssyncadd.s32 $0xFFFFC000  }
0x126: {  	[hbm4b:s16+s3] =	stream.linear.scatter [tilespmem:s17], [sflag:$0xB], $0x4000, $0x38;
	[tilespmem:$0x18100] =	vst v63  }
0x127: {  	s16 =	simm.s32 $0xB  }
0x128: {  	_ =	swait.ge [sflag:s16], $0x4000  }
0x129: {  	[sflag:s16] =	ssyncset.done $0x0  }
0x12a: {  	[sflag:s16] =	ssyncadd.s32 $0xFFFFC000  }
0x12b: {  	v3 =	vld [tilespmem:$0xA0];
	_ =	sdelay $0x4  }
0x12c: {  	v58 =	vshll.u32 v3, $0x3  }
0x12d: {  	v3 =	vand.u32 $0x7, v3;
	v4 =	vand.u32 $0xFFFFFFC0, v58  }
0x12e: {  	v3 =	vor.u32 v3, v4  }
0x12f: {  	v4 =	vperm.xlane v3, v0;
	_ =	sdelay $0x1  }
0x130: {  	v4 =	vadd.s32 v1, v4;
	_ =	sdelay $0x4  }
0x131: {  	[tilespmem:s17], [sflag:$0x5] =	stream.indirect_vreg.gather [hbm4b:s0+s3], $0x80, v4, vm0, $0xb8;
	[tilespmem:$0x18100] =	vst v63  }
0x132: {  	v3 =	vperm.xlane v3, v2  }
0x133: {  	[tilespmem:s4], [sflag:$0x5] =	stream.indirect_vreg.gather [hbm4b:s5+s3], $0x80, v4, vm0, $0xb8;
	[tilespmem:$0x18100] =	vst v63  }
0x134: {  	v3 =	vadd.s32 v1, v3  }
0x135: {  	[tilespmem:s9], [sflag:$0x5] =	stream.indirect_vreg.gather [hbm4b:s6+s3], $0x80, v4, vm0, $0xb8;
	[tilespmem:$0x18100] =	vst v63  }
0x136: {  	_ = 	snop  }
0x137: {  	[tilespmem:s10], [sflag:$0x5] =	stream.indirect_vreg.gather [hbm4b:s7+s3], $0x80, v4, vm0, $0xb8;
	[tilespmem:$0x18100] =	vst v63  }
0x138: {  	_ = 	snop  }
0x139: {  	[tilespmem:s12], [sflag:$0x5] =	stream.indirect_vreg.gather [hbm4b:s0+s3], $0x80, v3, vm0, $0xb8;
	[tilespmem:$0x18100] =	vst v63  }
0x13a: {  	_ = 	snop  }
0x13b: {  	[tilespmem:s13], [sflag:$0x5] =	stream.indirect_vreg.gather [hbm4b:s5+s3], $0x80, v3, vm0, $0xb8;
	[tilespmem:$0x18100] =	vst v63  }
0x13c: {  	_ = 	snop  }
0x13d: {  	[tilespmem:s14], [sflag:$0x5] =	stream.indirect_vreg.gather [hbm4b:s6+s3], $0x80, v3, vm0, $0xb8;
	[tilespmem:$0x18100] =	vst v63  }
0x13e: {  	s4 =	simm.s32 $0x6  }
0x13f: {  	[tilespmem:s15], [sflag:$0x5] =	stream.indirect_vreg.gather [hbm4b:s7+s3], $0x80, v3, vm0, $0xb8;
	[tilespmem:$0x18100] =	vst v63  }
0x140: {  	_ =	swait.ge [sflag:s4], $0x4000  }
0x141: {  	s9 =	simm.s32 $0xC;
	[sflag:s4] =	ssyncset.done $0x0  }
0x142: {  	s12 =	simm.s32 $0x14100;
	s10 =	rddreg [dreg:$0x11];
	[sflag:s4] =	ssyncadd.s32 $0xFFFFC000  }
0x143: {  	[hbm4b:s10+s3] =	stream.linear.scatter [tilespmem:s12], [sflag:$0xC], $0x4000, $0x38;
	[tilespmem:$0x18100] =	vst v63  }
0x144: {  	_ =	swait.ge [sflag:s9], $0x4000  }
0x145: {  	[sflag:s9] =	ssyncset.done $0x0  }
0x146: {  	[sflag:s9] =	ssyncadd.s32 $0xFFFFC000  }
0x147: {  	v3 =	vld [tilespmem:$0xB0];
	_ =	sdelay $0x4  }
0x148: {  	v59 =	vshll.u32 v3, $0x3  }
0x149: {  	v3 =	vand.u32 $0x7, v3;
	v4 =	vand.u32 $0xFFFFFFC0, v59  }
0x14a: {  	v3 =	vor.u32 v3, v4  }
0x14b: {  	v4 =	vperm.xlane v3, v0;
	_ =	sdelay $0x1  }
0x14c: {  	v4 =	vadd.s32 v1, v4;
	_ =	sdelay $0x4  }
0x14d: {  	[tilespmem:s12], [sflag:$0x6] =	stream.indirect_vreg.gather [hbm4b:s0+s3], $0x80, v4, vm0, $0xb8;
	[tilespmem:$0x18100] =	vst v63  }
0x14e: {  	s13 =	simm.s32 $0x14900;
	v3 =	vperm.xlane v3, v2  }
0x14f: {  	[tilespmem:s13], [sflag:$0x6] =	stream.indirect_vreg.gather [hbm4b:s5+s3], $0x80, v4, vm0, $0xb8;
	[tilespmem:$0x18100] =	vst v63  }
0x150: {  	s15 =	simm.s32 $0x15100;
	v3 =	vadd.s32 v1, v3  }
0x151: {  	[tilespmem:s15], [sflag:$0x6] =	stream.indirect_vreg.gather [hbm4b:s6+s3], $0x80, v4, vm0, $0xb8;
	[tilespmem:$0x18100] =	vst v63  }
0x152: {  	s12 =	simm.s32 $0x15900  }
0x153: {  	[tilespmem:s12], [sflag:$0x6] =	stream.indirect_vreg.gather [hbm4b:s7+s3], $0x80, v4, vm0, $0xb8;
	[tilespmem:$0x18100] =	vst v63  }
0x154: {  	_ = 	snop  }
0x155: {  	[tilespmem:s20], [sflag:$0x6] =	stream.indirect_vreg.gather [hbm4b:s0+s3], $0x80, v3, vm0, $0xb8;
	[tilespmem:$0x18100] =	vst v63  }
0x156: {  	_ = 	snop  }
0x157: {  	[tilespmem:s31], [sflag:$0x6] =	stream.indirect_vreg.gather [hbm4b:s5+s3], $0x80, v3, vm0, $0xb8;
	[tilespmem:$0x18100] =	vst v63  }
0x158: {  	s13 =	simm.s32 $0x17100  }
0x159: {  	[tilespmem:s13], [sflag:$0x6] =	stream.indirect_vreg.gather [hbm4b:s6+s3], $0x80, v3, vm0, $0xb8;
	[tilespmem:$0x18100] =	vst v63  }
0x15a: {  	s15 =	simm.s32 $0x17900  }
0x15b: {  	[tilespmem:s15], [sflag:$0x6] =	stream.indirect_vreg.gather [hbm4b:s7+s3], $0x80, v3, vm0, $0xb8;
	[tilespmem:$0x18100] =	vst v63  }
0x15c: {  	_ =	swait.ge [sflag:s19], $0x4000  }
0x15d: {  	[sflag:s19] =	ssyncset.done $0x0  }
0x15e: {  	s12 =	rddreg [dreg:$0x12];
	[sflag:s19] =	ssyncadd.s32 $0xFFFFC000  }
0x15f: {  	[hbm4b:s12+s3] =	stream.linear.scatter [tilespmem:s18], [sflag:$0x7], $0x4000, $0x38;
	[tilespmem:$0x18100] =	vst v63  }
0x160: {  	_ =	swait.ge [sflag:s22], $0x4000  }
0x161: {  	[sflag:s22] =	ssyncset.done $0x0  }
0x162: {  	[sflag:s22] =	ssyncadd.s32 $0xFFFFC000  }
0x163: {  	v3 =	vld [tilespmem:$0xC0];
	_ =	sdelay $0x4  }
0x164: {  	v60 =	vshll.u32 v3, $0x3  }
0x165: {  	v3 =	vand.u32 $0x7, v3;
	v4 =	vand.u32 $0xFFFFFFC0, v60  }
0x166: {  	v3 =	vor.u32 v3, v4  }
0x167: {  	v4 =	vperm.xlane v3, v0;
	_ =	sdelay $0x1  }
0x168: {  	v4 =	vadd.s32 v1, v4;
	_ =	sdelay $0x4  }
0x169: {  	[tilespmem:s18], [sflag:$0x1] =	stream.indirect_vreg.gather [hbm4b:s0+s3], $0x80, v4, vm0, $0xb8;
	[tilespmem:$0x18100] =	vst v63  }
0x16a: {  	s13 =	simm.s32 $0x900;
	v3 =	vperm.xlane v3, v2  }
0x16b: {  	[tilespmem:s13], [sflag:$0x1] =	stream.indirect_vreg.gather [hbm4b:s5+s3], $0x80, v4, vm0, $0xb8;
	[tilespmem:$0x18100] =	vst v63  }
0x16c: {  	s15 =	simm.s32 $0x1100;
	v3 =	vadd.s32 v1, v3  }
0x16d: {  	[tilespmem:s15], [sflag:$0x1] =	stream.indirect_vreg.gather [hbm4b:s6+s3], $0x80, v4, vm0, $0xb8;
	[tilespmem:$0x18100] =	vst v63  }
0x16e: {  	s12 =	simm.s32 $0x1900  }
0x16f: {  	[tilespmem:s12], [sflag:$0x1] =	stream.indirect_vreg.gather [hbm4b:s7+s3], $0x80, v4, vm0, $0xb8;
	[tilespmem:$0x18100] =	vst v63  }
0x170: {  	s13 =	simm.s32 $0x2100  }
0x171: {  	[tilespmem:s13], [sflag:$0x1] =	stream.indirect_vreg.gather [hbm4b:s0+s3], $0x80, v3, vm0, $0xb8;
	[tilespmem:$0x18100] =	vst v63  }
0x172: {  	s15 =	simm.s32 $0x2900  }
0x173: {  	[tilespmem:s15], [sflag:$0x1] =	stream.indirect_vreg.gather [hbm4b:s5+s3], $0x80, v3, vm0, $0xb8;
	[tilespmem:$0x18100] =	vst v63  }
0x174: {  	s12 =	simm.s32 $0x3100  }
0x175: {  	[tilespmem:s12], [sflag:$0x1] =	stream.indirect_vreg.gather [hbm4b:s6+s3], $0x80, v3, vm0, $0xb8;
	[tilespmem:$0x18100] =	vst v63  }
0x176: {  	s13 =	simm.s32 $0x3900  }
0x177: {  	[tilespmem:s13], [sflag:$0x1] =	stream.indirect_vreg.gather [hbm4b:s7+s3], $0x80, v3, vm0, $0xb8;
	[tilespmem:$0x18100] =	vst v63  }
0x178: {  	_ =	swait.ge [sflag:s23], $0x4000  }
0x179: {  	[sflag:s23] =	ssyncset.done $0x0  }
0x17a: {  	s15 =	rddreg [dreg:$0x13];
	[sflag:s23] =	ssyncadd.s32 $0xFFFFC000  }
0x17b: {  	[hbm4b:s15+s3] =	stream.linear.scatter [tilespmem:s26], [sflag:$0x8], $0x4000, $0x38;
	[tilespmem:$0x18100] =	vst v63  }
0x17c: {  	_ =	swait.ge [sflag:s24], $0x4000  }
0x17d: {  	[sflag:s24] =	ssyncset.done $0x0  }
0x17e: {  	[sflag:s24] =	ssyncadd.s32 $0xFFFFC000  }
0x17f: {  	v3 =	vld [tilespmem:$0xD0];
	_ =	sdelay $0x4  }
0x180: {  	v61 =	vshll.u32 v3, $0x3  }
0x181: {  	v3 =	vand.u32 $0x7, v3;
	v4 =	vand.u32 $0xFFFFFFC0, v61  }
0x182: {  	v3 =	vor.u32 v3, v4  }
0x183: {  	v4 =	vperm.xlane v3, v0;
	_ =	sdelay $0x1  }
0x184: {  	v4 =	vadd.s32 v1, v4;
	_ =	sdelay $0x4  }
0x185: {  	[tilespmem:s26], [sflag:$0x2] =	stream.indirect_vreg.gather [hbm4b:s0+s3], $0x80, v4, vm0, $0xb8;
	[tilespmem:$0x18100] =	vst v63  }
0x186: {  	s12 =	simm.s32 $0x4900;
	v3 =	vperm.xlane v3, v2  }
0x187: {  	[tilespmem:s12], [sflag:$0x2] =	stream.indirect_vreg.gather [hbm4b:s5+s3], $0x80, v4, vm0, $0xb8;
	[tilespmem:$0x18100] =	vst v63  }
0x188: {  	s13 =	simm.s32 $0x5100;
	v3 =	vadd.s32 v1, v3  }
0x189: {  	[tilespmem:s13], [sflag:$0x2] =	stream.indirect_vreg.gather [hbm4b:s6+s3], $0x80, v4, vm0, $0xb8;
	[tilespmem:$0x18100] =	vst v63  }
0x18a: {  	s15 =	simm.s32 $0x5900  }
0x18b: {  	[tilespmem:s15], [sflag:$0x2] =	stream.indirect_vreg.gather [hbm4b:s7+s3], $0x80, v4, vm0, $0xb8;
	[tilespmem:$0x18100] =	vst v63  }
0x18c: {  	s12 =	simm.s32 $0x6100  }
0x18d: {  	[tilespmem:s12], [sflag:$0x2] =	stream.indirect_vreg.gather [hbm4b:s0+s3], $0x80, v3, vm0, $0xb8;
	[tilespmem:$0x18100] =	vst v63  }
0x18e: {  	s13 =	simm.s32 $0x6900  }
0x18f: {  	[tilespmem:s13], [sflag:$0x2] =	stream.indirect_vreg.gather [hbm4b:s5+s3], $0x80, v3, vm0, $0xb8;
	[tilespmem:$0x18100] =	vst v63  }
0x190: {  	s15 =	simm.s32 $0x7100  }
0x191: {  	[tilespmem:s15], [sflag:$0x2] =	stream.indirect_vreg.gather [hbm4b:s6+s3], $0x80, v3, vm0, $0xb8;
	[tilespmem:$0x18100] =	vst v63  }
0x192: {  	s12 =	simm.s32 $0x7900  }
0x193: {  	[tilespmem:s12], [sflag:$0x2] =	stream.indirect_vreg.gather [hbm4b:s7+s3], $0x80, v3, vm0, $0xb8;
	[tilespmem:$0x18100] =	vst v63  }
0x194: {  	_ =	swait.ge [sflag:s25], $0x4000  }
0x195: {  	[sflag:s25] =	ssyncset.done $0x0  }
0x196: {  	s13 =	rddreg [dreg:$0x14];
	[sflag:s25] =	ssyncadd.s32 $0xFFFFC000  }
0x197: {  	[hbm4b:s13+s3] =	stream.linear.scatter [tilespmem:s1], [sflag:$0x9], $0x4000, $0x38;
	[tilespmem:$0x18100] =	vst v63  }
0x198: {  	_ =	swait.ge [sflag:s28], $0x4000  }
0x199: {  	[sflag:s28] =	ssyncset.done $0x0  }
0x19a: {  	[sflag:s28] =	ssyncadd.s32 $0xFFFFC000  }
0x19b: {  	v3 =	vld [tilespmem:$0xE0];
	_ =	sdelay $0x4  }
0x19c: {  	v62 =	vshll.u32 v3, $0x3  }
0x19d: {  	v3 =	vand.u32 $0x7, v3;
	v4 =	vand.u32 $0xFFFFFFC0, v62  }
0x19e: {  	v3 =	vor.u32 v3, v4  }
0x19f: {  	v4 =	vperm.xlane v3, v0;
	_ =	sdelay $0x1  }
0x1a0: {  	v4 =	vadd.s32 v1, v4;
	_ =	sdelay $0x4  }
0x1a1: {  	[tilespmem:s1], [sflag:$0x3] =	stream.indirect_vreg.gather [hbm4b:s0+s3], $0x80, v4, vm0, $0xb8;
	[tilespmem:$0x18100] =	vst v63  }
0x1a2: {  	s15 =	simm.s32 $0x8900;
	v3 =	vperm.xlane v3, v2  }
0x1a3: {  	[tilespmem:s15], [sflag:$0x3] =	stream.indirect_vreg.gather [hbm4b:s5+s3], $0x80, v4, vm0, $0xb8;
	[tilespmem:$0x18100] =	vst v63  }
0x1a4: {  	s12 =	simm.s32 $0x9100;
	v3 =	vadd.s32 v1, v3  }
0x1a5: {  	[tilespmem:s12], [sflag:$0x3] =	stream.indirect_vreg.gather [hbm4b:s6+s3], $0x80, v4, vm0, $0xb8;
	[tilespmem:$0x18100] =	vst v63  }
0x1a6: {  	s13 =	simm.s32 $0x9900  }
0x1a7: {  	[tilespmem:s13], [sflag:$0x3] =	stream.indirect_vreg.gather [hbm4b:s7+s3], $0x80, v4, vm0, $0xb8;
	[tilespmem:$0x18100] =	vst v63  }
0x1a8: {  	s15 =	simm.s32 $0xA100  }
0x1a9: {  	[tilespmem:s15], [sflag:$0x3] =	stream.indirect_vreg.gather [hbm4b:s0+s3], $0x80, v3, vm0, $0xb8;
	[tilespmem:$0x18100] =	vst v63  }
0x1aa: {  	s12 =	simm.s32 $0xA900  }
0x1ab: {  	[tilespmem:s12], [sflag:$0x3] =	stream.indirect_vreg.gather [hbm4b:s5+s3], $0x80, v3, vm0, $0xb8;
	[tilespmem:$0x18100] =	vst v63  }
0x1ac: {  	s13 =	simm.s32 $0xB100  }
0x1ad: {  	[tilespmem:s13], [sflag:$0x3] =	stream.indirect_vreg.gather [hbm4b:s6+s3], $0x80, v3, vm0, $0xb8;
	[tilespmem:$0x18100] =	vst v63  }
0x1ae: {  	s15 =	simm.s32 $0xB900  }
0x1af: {  	[tilespmem:s15], [sflag:$0x3] =	stream.indirect_vreg.gather [hbm4b:s7+s3], $0x80, v3, vm0, $0xb8;
	[tilespmem:$0x18100] =	vst v63  }
0x1b0: {  	_ =	swait.ge [sflag:s29], $0x4000  }
0x1b1: {  	[sflag:s29] =	ssyncset.done $0x0  }
0x1b2: {  	s12 =	rddreg [dreg:$0x15];
	[sflag:s29] =	ssyncadd.s32 $0xFFFFC000  }
0x1b3: {  	[hbm4b:s12+s3] =	stream.linear.scatter [tilespmem:s21], [sflag:$0xA], $0x4000, $0x38;
	[tilespmem:$0x18100] =	vst v63  }
0x1b4: {  	_ =	swait.ge [sflag:s30], $0x4000  }
0x1b5: {  	[sflag:s30] =	ssyncset.done $0x0  }
0x1b6: {  	[sflag:s30] =	ssyncadd.s32 $0xFFFFC000  }
0x1b7: {  	v3 =	vld [tilespmem:$0xF0];
	_ =	sdelay $0x4  }
0x1b8: {  	v63 =	vshll.u32 v3, $0x3  }
0x1b9: {  	v3 =	vand.u32 $0x7, v3;
	v4 =	vand.u32 $0xFFFFFFC0, v63  }
0x1ba: {  	v3 =	vor.u32 v3, v4  }
0x1bb: {  	v4 =	vperm.xlane v3, v0;
	_ =	sdelay $0x1  }
0x1bc: {  	v4 =	vadd.s32 v1, v4;
	_ =	sdelay $0x4  }
0x1bd: {  	[tilespmem:s21], [sflag:$0x4] =	stream.indirect_vreg.gather [hbm4b:s0+s3], $0x80, v4, vm0, $0xb8;
	[tilespmem:$0x18100] =	vst v63  }
0x1be: {  	s13 =	simm.s32 $0xC900;
	v3 =	vperm.xlane v3, v2  }
0x1bf: {  	[tilespmem:s13], [sflag:$0x4] =	stream.indirect_vreg.gather [hbm4b:s5+s3], $0x80, v4, vm0, $0xb8;
	[tilespmem:$0x18100] =	vst v63  }
0x1c0: {  	s15 =	simm.s32 $0xD100;
	v3 =	vadd.s32 v1, v3  }
0x1c1: {  	[tilespmem:s15], [sflag:$0x4] =	stream.indirect_vreg.gather [hbm4b:s6+s3], $0x80, v4, vm0, $0xb8;
	[tilespmem:$0x18100] =	vst v63  }
0x1c2: {  	s12 =	simm.s32 $0xD900  }
0x1c3: {  	[tilespmem:s12], [sflag:$0x4] =	stream.indirect_vreg.gather [hbm4b:s7+s3], $0x80, v4, vm0, $0xb8;
	[tilespmem:$0x18100] =	vst v63  }
0x1c4: {  	s13 =	simm.s32 $0xE100  }
0x1c5: {  	[tilespmem:s13], [sflag:$0x4] =	stream.indirect_vreg.gather [hbm4b:s0+s3], $0x80, v3, vm0, $0xb8;
	[tilespmem:$0x18100] =	vst v63  }
0x1c6: {  	s15 =	simm.s32 $0xE900  }
0x1c7: {  	[tilespmem:s15], [sflag:$0x4] =	stream.indirect_vreg.gather [hbm4b:s5+s3], $0x80, v3, vm0, $0xb8;
	[tilespmem:$0x18100] =	vst v63  }
0x1c8: {  	s12 =	simm.s32 $0xF100  }
0x1c9: {  	[tilespmem:s12], [sflag:$0x4] =	stream.indirect_vreg.gather [hbm4b:s6+s3], $0x80, v3, vm0, $0xb8;
	[tilespmem:$0x18100] =	vst v63  }
0x1ca: {  	s13 =	simm.s32 $0xF900  }
0x1cb: {  	[tilespmem:s13], [sflag:$0x4] =	stream.indirect_vreg.gather [hbm4b:s7+s3], $0x80, v3, vm0, $0xb8;
	[tilespmem:$0x18100] =	vst v63  }
0x1cc: {  	_ =	swait.ge [sflag:s2], $0x4000  }
0x1cd: {  	[sflag:s2] =	ssyncset.done $0x0  }
0x1ce: {  	s17 =	simm.s32 $0x10100;
	s15 =	rddreg [dreg:$0x16];
	[sflag:s2] =	ssyncadd.s32 $0xFFFFC000  }
0x1cf: {  	[hbm4b:s15+s3] =	stream.linear.scatter [tilespmem:s17], [sflag:$0xB], $0x4000, $0x38;
	[tilespmem:$0x18100] =	vst v63  }
0x1d0: {  	_ =	swait.ge [sflag:s4], $0x4000  }
0x1d1: {  	[sflag:s4] =	ssyncset.done $0x0  }
0x1d2: {  	s10 =	simm.s32 $0x14100;
	s2 =	rddreg [dreg:$0x17];
	[sflag:s4] =	ssyncadd.s32 $0xFFFFC000  }
0x1d3: {  	[hbm4b:s2+s3] =	stream.linear.scatter [tilespmem:s10], [sflag:$0xC], $0x4000, $0x38;
	[tilespmem:$0x18100] =	vst v63  }
0x1d4: {  	_ =	swait.ge [sflag:s19], $0x4000  }
0x1d5: {  	[sflag:s19] =	ssyncset.done $0x0  }
0x1d6: {  	s12 =	rddreg [dreg:$0x18];
	[sflag:s19] =	ssyncadd.s32 $0xFFFFC000  }
0x1d7: {  	[hbm4b:s12+s3] =	stream.linear.scatter [tilespmem:s18], [sflag:$0x7], $0x4000, $0x38;
	[tilespmem:$0x18100] =	vst v63  }
0x1d8: {  	_ =	swait.ge [sflag:s23], $0x4000  }
0x1d9: {  	[sflag:s23] =	ssyncset.done $0x0  }
0x1da: {  	s13 =	rddreg [dreg:$0x19];
	[sflag:s23] =	ssyncadd.s32 $0xFFFFC000  }
0x1db: {  	[hbm4b:s13+s3] =	stream.linear.scatter [tilespmem:s26], [sflag:$0x8], $0x4000, $0x38;
	[tilespmem:$0x18100] =	vst v63  }
0x1dc: {  	_ =	swait.ge [sflag:s25], $0x4000  }
0x1dd: {  	[sflag:s25] =	ssyncset.done $0x0  }
0x1de: {  	s15 =	rddreg [dreg:$0x1a];
	[sflag:s25] =	ssyncadd.s32 $0xFFFFC000  }
0x1df: {  	[hbm4b:s15+s3] =	stream.linear.scatter [tilespmem:s1], [sflag:$0x9], $0x4000, $0x38;
	[tilespmem:$0x18100] =	vst v63  }
0x1e0: {  	_ =	swait.ge [sflag:s29], $0x4000  }
0x1e1: {  	[sflag:s29] =	ssyncset.done $0x0  }
0x1e2: {  	s17 =	rddreg [dreg:$0x1b];
	[sflag:s29] =	ssyncadd.s32 $0xFFFFC000  }
0x1e3: {  	[hbm4b:s17+s3] =	stream.linear.scatter [tilespmem:s21], [sflag:$0xA], $0x4000, $0x38;
	[tilespmem:$0x18100] =	vst v63  }
0x1e4: {  	_ =	swait.ge [sflag:s16], $0x4000  }
0x1e5: {  	[sflag:s16] =	ssyncset.done $0x0  }
0x1e6: {  	[sflag:s16] =	ssyncadd.s32 $0xFFFFC000  }
0x1e7: {  	_ =	swait.ge [sflag:s9], $0x4000  }
0x1e8: {  	[sflag:s9] =	ssyncset.done $0x0  }
0x1e9: {  	[sflag:s9] =	ssyncadd.s32 $0xFFFFC000  }
0x1ea: {  	_ =	swait.ge [sflag:s22], $0x4000  }
0x1eb: {  	[sflag:s22] =	ssyncset.done $0x0  }
0x1ec: {  	[sflag:s22] =	ssyncadd.s32 $0xFFFFC000  }
0x1ed: {  	_ =	swait.ge [sflag:s24], $0x4000  }
0x1ee: {  	[sflag:s24] =	ssyncset.done $0x0  }
0x1ef: {  	[sflag:s24] =	ssyncadd.s32 $0xFFFFC000  }
0x1f0: {  	_ =	swait.ge [sflag:s28], $0x4000  }
0x1f1: {  	[sflag:s28] =	ssyncset.done $0x0  }
0x1f2: {  	[sflag:s28] =	ssyncadd.s32 $0xFFFFC000  }
0x1f3: {  	p5 =	por @!p2 $0x0, $0x0;
	_ =	swait.ge [sflag:s30], $0x4000  }
0x1f4: {  	p6 =	por @p0 $0x1, $0x1;
	s8 =	sadd.s32 $0xFFFFFFFF, s8;
	[sflag:s30] =	ssyncset.done $0x0  }
0x1f5: {  	p5 =	por @!p3 p1, p1;
	s11 =	simm.s32 @!p4 $0xD;
	[sflag:s30] =	ssyncadd.s32 $0xFFFFC000  }
0x1f6: {  	p6 =	por @!p0 p5, p5;
	p5 =	sne.s32 s8, $0x0;
	_ =	swait.ge @!p4 [sflag:s11], $0x400  }
.Ltmp0:
0x1f7: {  	[sflag:s11] =	ssyncset.done @!p4 $0x0;
	(pc) =	sbr.rel @p5 .LBB2_1-.Ltmp0, $4  }
0x1f8: {  	[sflag:s11] =	ssyncadd.s32 @!p4 $0xFFFFFC00;
	s11 =	simm.s32 @p6 $0xD  }
0x1f9: {  	_ =	swait.ge @p6 [sflag:s11], $0x400  }
0x1fa: {  	[sflag:s11] =	ssyncset.done @p6 $0x0  }
0x1fb: {  	[sflag:s11] =	ssyncadd.s32 @p6 $0xFFFFFC00  }
0x1fc: {  	_ =	sfence.sel $0x180000  }
0x1fd: {  	[bflag:$0x0] =	sbarrier.arrive $0xFFFF  }
0x1fe: {  	_ =	strace $0x90000047  }
0x1ff: {  	s0 =	stileid.u32;
	[bflag:$0x2] =	sbarrier.arrive $0xFFFF  }
0x200: {  	p0 =	sne.s32 s0, $0x0;
	s0 =	rddreg [dreg:$0x7]  }
0x201: {  	s0 =	sadd.s32 @!p0 $0x100000, s0  }
0x202: {  	[sflag:s0] =	ssyncadd.tile.s32 @!p0 $0x1;
	_ =	shalt  }
.Lfunc_end2:
_tile_overlayer_lowered:
.L_overlay_start_2:
0x203: {  	(tag) =	ssettag $0x2  }
0x204: {  	s0 =	rddreg [dreg:$0x0];
	s2 =	stileid.u32  }
0x205: {  	s1 =	rddreg [dreg:$0x1];
	p0 =	sne.s32 s2, $0x0  }
0x206: {  	s3 =	rddreg [dreg:$0x2];
	[bflag:$0x3] =	sbarrier.arrive $0xFFFF;
	s2 =	simm.s32 @!p0 $0x1C0E  }
0x207: {  	[timem:s3], [sflag:s2] =	dma.local @!p0 [hbm:s0], s1  }
0x208: {  	s0 =	simm.s32 @!p0 $0xE  }
0x209: {  	_ =	swait.ge @!p0 [sflag:s0], s1  }
0x20a: {  	s1 =	ssub.s32 @!p0 $0x0, s1;
	[sflag:s0] =	ssyncset.done @!p0 $0x0  }
0x20b: {  	[sflag:s0] =	ssyncadd.s32 @!p0 s1  }
0x20c: {  	[bflag:$0x3] =	sbarrier.arrive $0xFFFF  }
0x20d: {  	_ =	shalt  }

</sc_bundles>
